<compile_context>
chip_gen: v7x
topology: tpu7x:2x2x1
jax: 0.10.2.dev20260603
libtpu: 0.0.44.dev20260713+nightly
codegen_flags: <defaults>
</compile_context>

<pallas_src>
import functools

import jax
import jax.numpy as jnp
from jax import lax
from jax.experimental import pallas as pl
from jax.experimental.pallas import tpu as pltpu
from jax.experimental.pallas import tpu_sc as plsc

N = 10000
E = 320000
D = 128
H = 128
C = 64

NC = 2
NS = 16
NW = NC * NS
CH = 128
BB = 16
CPW = -(-(-(-E // (NW * CH))) // BB) * BB
NBB = CPW // BB
E_PAD = NW * CPW * CH
NP = 10240
NSP = 10112
RPS = NSP // NS
BR = 1024
DUMP = NSP - 1
DW = 16
LASTR = N - (NS - 1) * RPS


def _mesh():
    return plsc.VectorSubcoreMesh(
        core_axis_name="c", subcore_axis_name="s", num_cores=NC, num_subcores=NS)


NGR = CPW // 4


@functools.lru_cache(maxsize=None)
def _make_segsum(ntab, with_deg=False):
    F = C
    NPAIR = CPW // 2
    scratch = [
        pltpu.VMEM((CPW, CH), jnp.int32),
        pltpu.VMEM((CPW, CH), jnp.int32),
        pltpu.VMEM((CH, F), jnp.float32),
        pltpu.VMEM((CH, F), jnp.float32),
        pltpu.VMEM_SHARED((NSP, F), jnp.float32),
        pltpu.VMEM_SHARED((NSP, F), jnp.float32),
        pltpu.SemaphoreType.DMA,
        pltpu.SemaphoreType.DMA,
    ]
    if with_deg:
        scratch += [
            pltpu.VMEM((CH, DW), jnp.float32),
            pltpu.VMEM_SHARED((NSP, DW), jnp.float32),
            pltpu.SemaphoreType.DMA,
        ]

    def body(*args):
        ys = args[:ntab]
        nin = ntab + 3 + (2 if with_deg else 0)
        src_hbm, dst_hbm, zrow_hbm = args[ntab:ntab + 3]
        if with_deg:
            z8_hbm, ones_hbm = args[ntab + 3:ntab + 5]
        outs = args[nin:nin + ntab + (1 if with_deg else 0)]
        if with_deg:
            ones_v, deg_sp, dsem = args[-3:]
            scr = args[nin + ntab + 1:-3]
        else:
            scr = args[nin + ntab:]
        (src_v, dst_v, b0, b1, tab_sp, acc_sp, g0, g1) = scr
        c = lax.axis_index("c")
        s = lax.axis_index("s")
        w = c * NS + s
        bufs = (b0, b1)
        gsem = (g0, g1)
        pltpu.sync_copy(src_hbm.at[w], src_v)
        pltpu.sync_copy(dst_hbm.at[w], dst_v)
        if with_deg:
            pltpu.sync_copy(ones_hbm, ones_v)
            pltpu.sync_copy(z8_hbm, deg_sp.at[pl.ds(s * RPS, RPS)])

        def deg_scat(j):
            pltpu.async_copy(ones_v, deg_sp.at[dst_v.at[j]], dsem, add=True)

        def wait_deg():
            pltpu.make_async_copy(ones_v, deg_sp.at[dst_v.at[0]], dsem).wait()

        for it, (y_hbm, acc_out) in enumerate(zip(ys, outs[:ntab])):
            dodeg = with_deg and it == 0
            @pl.when(s < NS - 1)
            def _():
                pltpu.sync_copy(y_hbm.at[pl.ds(s * RPS, RPS)],
                                tab_sp.at[pl.ds(s * RPS, RPS)])

            @pl.when(s == NS - 1)
            def _():
                pltpu.sync_copy(y_hbm.at[pl.ds((NS - 1) * RPS, LASTR)],
                                tab_sp.at[pl.ds((NS - 1) * RPS, LASTR)])

            pltpu.sync_copy(zrow_hbm, acc_sp.at[pl.ds(s * RPS, RPS)])
            plsc.subcore_barrier()

            def gath(j, b):
                pltpu.async_copy(tab_sp.at[src_v.at[j]], bufs[b], gsem[b])

            def wait_gath(j, b):
                pltpu.make_async_copy(tab_sp.at[src_v.at[j]], bufs[b],
                                      gsem[b]).wait()

            gath(0, 0)

            def pair(p, carry):
                j0 = 2 * p
                for k in range(2):
                    j = j0 + k
                    if k == 0:
                        gath(j0 + 1, 1)
                    else:
                        pl.when(p < NPAIR - 1)(lambda: gath(j0 + 2, 0))
                    wait_gath(j, k)
                    pltpu.sync_copy(bufs[k], acc_sp.at[dst_v.at[j]], add=True)
                return carry

            lax.fori_loop(0, NPAIR, pair, 0)
            plsc.subcore_barrier()
            pltpu.sync_copy(acc_sp.at[pl.ds(s * RPS, RPS)],
                            acc_out.at[c, pl.ds(s * RPS, RPS)])
            if dodeg:
                pltpu.sync_copy(deg_sp.at[pl.ds(s * RPS, RPS)],
                                outs[ntab].at[c, pl.ds(s * RPS, RPS)])
            plsc.subcore_barrier()

    out = [jax.ShapeDtypeStruct((NC, NSP, C), jnp.float32)] * ntab
    if with_deg:
        out.append(jax.ShapeDtypeStruct((NC, NSP, DW), jnp.float32))
    return pl.kernel(body, out_type=tuple(out) if len(out) > 1 else out[0],
                     mesh=_mesh(), scratch_types=scratch,
                     compiler_params=pltpu.CompilerParams(use_tc_tiling_on_sc=False))


@functools.lru_cache(maxsize=None)
def _make_deg():
    scratch = [
        pltpu.VMEM((CPW, CH), jnp.int32),
        pltpu.VMEM((CH, DW), jnp.float32),
        pltpu.VMEM_SHARED((NSP, DW), jnp.float32),
        pltpu.SemaphoreType.DMA,
    ]

    def body(dst_hbm, z8_hbm, ones_hbm, deg_out, dst_v, ones_v, deg_sp, dsem):
        c = lax.axis_index("c")
        s = lax.axis_index("s")
        w = c * NS + s
        pltpu.sync_copy(ones_hbm, ones_v)
        pltpu.sync_copy(dst_hbm.at[w], dst_v)
        pltpu.sync_copy(z8_hbm, deg_sp.at[pl.ds(s * RPS, RPS)])
        plsc.subcore_barrier()

        def fire(j):
            pltpu.async_copy(ones_v, deg_sp.at[dst_v.at[j]], dsem, add=True)

        def drain():
            pltpu.make_async_copy(ones_v, deg_sp.at[dst_v.at[0]], dsem).wait()

        fire(0)
        fire(1)

        def chunk(j, carry):
            drain()
            fire(j)
            return carry

        lax.fori_loop(2, CPW, chunk, 0)
        drain()
        drain()
        plsc.subcore_barrier()
        pltpu.sync_copy(deg_sp.at[pl.ds(s * RPS, RPS)],
                        deg_out.at[c, pl.ds(s * RPS, RPS)])

    return pl.kernel(body, out_type=jax.ShapeDtypeStruct((NC, NSP, DW), jnp.float32),
                     mesh=_mesh(), scratch_types=scratch,
                     compiler_params=pltpu.CompilerParams(use_tc_tiling_on_sc=False))


def _mm2_body(x_ref, wl_ref, wr_ref, b_ref, ya_ref, yb_ref, r_ref):
    xb = x_ref[...]
    y = jnp.dot(xb, wl_ref[...], preferred_element_type=jnp.float32)
    ya_ref[...] = y[:, :C]
    yb_ref[...] = y[:, C:]
    r_ref[...] = jnp.dot(xb, wr_ref[...],
                         preferred_element_type=jnp.float32) + b_ref[...]


def _stage_b_body(acca_ref, accb_ref, deg_ref, r1_ref, wl_ref, wr_ref, b_ref,
                  y2_ref, r2_ref):
    a = jnp.concatenate([acca_ref[0] + acca_ref[1],
                         accb_ref[0] + accb_ref[1]], axis=1)
    dg = deg_ref[0, :, 0:1] + deg_ref[1, :, 0:1]
    rd = 1.0 / jnp.maximum(dg, 1.0)
    h = jnp.maximum(a * rd + r1_ref[...], 0.0)
    y2_ref[...] = jnp.dot(h, wl_ref[...], preferred_element_type=jnp.float32)
    r2_ref[...] = jnp.dot(h, wr_ref[...],
                          preferred_element_type=jnp.float32) + b_ref[...]


def _stage_c_body(acc_ref, deg_ref, r2_ref, o_ref):
    a = acc_ref[0] + acc_ref[1]
    dg = deg_ref[0, :, 0:1] + deg_ref[1, :, 0:1]
    rd = 1.0 / jnp.maximum(dg, 1.0)
    o_ref[...] = a * rd + r2_ref[...]


def _full(shape):
    return pl.BlockSpec(shape, lambda i: (0,) * len(shape))


BRN = 1000


_stage_a = pl.pallas_call(
    _mm2_body,
    grid=(N // BRN,),
    in_specs=[pl.BlockSpec((BRN, D), lambda i: (i, 0)),
              _full((D, H)), _full((D, H)), _full((1, H))],
    out_specs=[pl.BlockSpec((BRN, C), lambda i: (i, 0)),
               pl.BlockSpec((BRN, C), lambda i: (i, 0)),
               pl.BlockSpec((BRN, H), lambda i: (i, 0))],
    out_shape=[jax.ShapeDtypeStruct((N, C), jnp.float32),
               jax.ShapeDtypeStruct((N, C), jnp.float32),
               jax.ShapeDtypeStruct((N, H), jnp.float32)],
)

_stage_b = pl.pallas_call(
    _stage_b_body,
    grid=(N // BRN,),
    in_specs=[pl.BlockSpec((NC, BRN, C), lambda i: (0, i, 0)),
              pl.BlockSpec((NC, BRN, C), lambda i: (0, i, 0)),
              pl.BlockSpec((NC, BRN, DW), lambda i: (0, i, 0)),
              pl.BlockSpec((BRN, H), lambda i: (i, 0)),
              _full((H, C)), _full((H, C)), _full((1, C))],
    out_specs=[pl.BlockSpec((BRN, C), lambda i: (i, 0)),
               pl.BlockSpec((BRN, C), lambda i: (i, 0))],
    out_shape=[jax.ShapeDtypeStruct((N, C), jnp.float32)] * 2,
)

_stage_c = pl.pallas_call(
    _stage_c_body,
    grid=(N // BRN,),
    in_specs=[pl.BlockSpec((NC, BRN, C), lambda i: (0, i, 0)),
              pl.BlockSpec((NC, BRN, DW), lambda i: (0, i, 0)),
              pl.BlockSpec((BRN, C), lambda i: (i, 0))],
    out_specs=pl.BlockSpec((BRN, C), lambda i: (i, 0)),
    out_shape=jax.ShapeDtypeStruct((N, C), jnp.float32),
)


def kernel(x, edge_index, W1_l, W1_r, b1, W2_l, W2_r, b2):
    src = edge_index[0].astype(jnp.int32)
    dst = edge_index[1].astype(jnp.int32)
    pad = E_PAD - E
    src_p = jnp.concatenate([src, jnp.zeros((pad,), jnp.int32)]
                            ).reshape(NW, CPW, CH)
    dst_p = jnp.concatenate([dst, jnp.full((pad,), DUMP, jnp.int32)]
                            ).reshape(NW, CPW, CH)
    zrow = jnp.zeros((RPS, C), jnp.float32)
    z8 = jnp.zeros((RPS, DW), jnp.float32)
    ones8 = jnp.ones((CH, DW), jnp.float32)

    degp = _make_deg()(dst_p, z8, ones8)
    y1a, y1b, r1 = _stage_a(x, W1_l, W1_r, b1.reshape(1, H))
    acc1a, acc1b = _make_segsum(2)(y1a, y1b, src_p, dst_p, zrow)
    y2, r2 = _stage_b(acc1a, acc1b, degp, r1, W2_l, W2_r, b2.reshape(1, C))
    acc2 = _make_segsum(1)(y2, src_p, dst_p, zrow)
    out = _stage_c(acc2, degp, r2)
    return (out, edge_index)

# --- scband reference (transcript-rebuilt; emitter-appended) ---
"""Pipeline reference for scband-sageconvolution-652835029486 (READ-ONLY COPY).

The authoritative reference and input builder live on the scoring server;
editing this copy changes nothing except your own understanding.
"""

import jax, jax.numpy as jnp
import numpy as np

N = 10000
E = 320000
D = 128
H = 128
C = 64


def setup_inputs(seed: int = 0) -> dict:
    key = jax.random.key(seed)
    k1, k2, k3, k4, k5, k6, k7, k8 = jax.random.split(key, 8)
    x = jax.random.normal(k1, (N, D), dtype=jnp.float32)
    edge_index = jax.random.randint(k2, (2, E), 0, N).astype(jnp.int64)
    W1_l = jax.random.normal(k3, (D, H), dtype=jnp.float32) * 0.05
    W1_r = jax.random.normal(k4, (D, H), dtype=jnp.float32) * 0.05
    b1 = jnp.zeros((H,), dtype=jnp.float32)
    W2_l = jax.random.normal(k5, (H, C), dtype=jnp.float32) * 0.05
    W2_r = jax.random.normal(k6, (H, C), dtype=jnp.float32) * 0.05
    b2 = jnp.zeros((C,), dtype=jnp.float32)
    return {"x": x, "edge_index": edge_index, "W1_l": W1_l, "W1_r": W1_r,
            "b1": b1, "W2_l": W2_l, "W2_r": W2_r, "b2": b2}


def _sage_conv(x, edge_index, W_l, W_r, b):
    # PyG SAGEConv with mean aggregation:
    # out = lin_l(mean_{j in N(i)} x_j) + lin_r(x_i) + bias
    src = edge_index[0]
    dst = edge_index[1]
    msgs = jnp.take(x, src, axis=0)                      # gather [E, d]
    agg = jax.ops.segment_sum(msgs, dst, num_segments=N) # scatter-add [N, d]
    deg = jax.ops.segment_sum(jnp.ones((msgs.shape[0],), dtype=x.dtype), dst,
                              num_segments=N)
    mean = agg / jnp.clip(deg, 1.0)[:, None]
    return mean @ W_l + x @ W_r + b


def reference(x, edge_index, W1_l, W1_r, b1, W2_l, W2_r, b2):
    h = jax.nn.relu(_sage_conv(x, edge_index, W1_l, W1_r, b1))
    # F.dropout(training=False) at inference -> identity
    out = _sage_conv(h, edge_index, W2_l, W2_r, b2)
    return (out, edge_index)

if __name__ == "__main__":
    import jax
    _d = setup_inputs()
    print(jax.jit(kernel)(*tuple(_d.values())))

</pallas_src>

<mosaic_0001>
#map = affine_map<(d0, d1) -> (0, 0)>
#map1 = affine_map<(d0, d1) -> (0, 0, 0)>
module attributes {stable_mosaic.version = 14 : i64} {
  func.func @body(%arg0: i32, %arg1: i32, %arg2: memref<10000x64xf32, #tpu.memory_space<hbm>>, %arg3: memref<32x80x128xi32, #tpu.memory_space<hbm>>, %arg4: memref<32x80x128xi32, #tpu.memory_space<hbm>>, %arg5: memref<632x64xf32, #tpu.memory_space<hbm>>, %arg6: memref<2x10112x64xf32, #tpu.memory_space<hbm>>, %arg7: memref<80x128xi32, #tpu.memory_space<vmem>>, %arg8: memref<80x128xi32, #tpu.memory_space<vmem>>, %arg9: memref<128x64xf32, #tpu.memory_space<vmem>>, %arg10: memref<128x64xf32, #tpu.memory_space<vmem>>, %arg11: memref<10112x64xf32, #tpu.memory_space<vmem_shared>>, %arg12: memref<10112x64xf32, #tpu.memory_space<vmem_shared>>, %arg13: memref<!tpu.dma_semaphore, #tpu.memory_space<semaphore_mem>>, %arg14: memref<!tpu.dma_semaphore, #tpu.memory_space<semaphore_mem>>) attributes {dimension_semantics = [#tpu.dimension_semantics<core_parallel>, #tpu.dimension_semantics<subcore_parallel>], iteration_bounds = array<i64: 2, 16>, scalar_prefetch = 0 : i64, scratch_operands = 8 : i64, tpu.core_type = #tpu.core_type<sc_vector_subcore>, window_params = [{transform_indices = #map}, {transform_indices = #map1}, {transform_indices = #map1}, {transform_indices = #map}, {transform_indices = #map1}]} {
    %mul3A = arith.constant 16 : i32
    %mul3A_0 = arith.muli %arg0, %mul3A : i32
    %add3A = arith.addi %mul3A_0, %arg1 : i32
    "tpu.region"() ({
      %run_scoped3A = tpu.sem_alloc : memref<!tpu.dma_semaphore, #tpu.memory_space<semaphore_mem>>
      %dma_start3A_26 = arith.constant 0 : i32
      %dma_start3A_27 = arith.constant 0 : i32
      %dma_start3A_28 = tpu.memref_slice %arg3[%add3A, %dma_start3A_26, %dma_start3A_27] : memref<32x80x128xi32, #tpu.memory_space<hbm>> -> memref<1x80x128xi32, #tpu.memory_space<hbm>>
      %dma_start3A_29 = tpu.memref_squeeze %dma_start3A_28 : memref<1x80x128xi32, #tpu.memory_space<hbm>> -> memref<80x128xi32, #tpu.memory_space<hbm>>
      %dma_start3A_30 = arith.constant 0 : i32
      %dma_start3A_31 = arith.constant 0 : i32
      %dma_start3A_32 = tpu.memref_slice %arg3[%add3A, %dma_start3A_30, %dma_start3A_31] : memref<32x80x128xi32, #tpu.memory_space<hbm>> -> memref<1x80x128xi32, #tpu.memory_space<hbm>>
      %dma_start3A_33 = tpu.memref_squeeze %dma_start3A_32 : memref<1x80x128xi32, #tpu.memory_space<hbm>> -> memref<80x128xi32, #tpu.memory_space<hbm>>
      tpu.enqueue_dma source(%dma_start3A_33 : memref<80x128xi32, #tpu.memory_space<hbm>>) target(%arg7 : memref<80x128xi32, #tpu.memory_space<vmem>>) target_semaphore(%run_scoped3A : memref<!tpu.dma_semaphore, #tpu.memory_space<semaphore_mem>>)
      %dma_wait3A = arith.constant 0 : i32
      %dma_wait3A_34 = arith.constant 0 : i32
      %dma_wait3A_35 = tpu.memref_slice %arg3[%add3A, %dma_wait3A, %dma_wait3A_34] : memref<32x80x128xi32, #tpu.memory_space<hbm>> -> memref<1x80x128xi32, #tpu.memory_space<hbm>>
      %dma_wait3A_36 = tpu.memref_squeeze %dma_wait3A_35 : memref<1x80x128xi32, #tpu.memory_space<hbm>> -> memref<80x128xi32, #tpu.memory_space<hbm>>
      %dma_wait3A_37 = arith.constant 0 : i32
      %dma_wait3A_38 = arith.constant 0 : i32
      %dma_wait3A_39 = tpu.memref_slice %arg3[%add3A, %dma_wait3A_37, %dma_wait3A_38] : memref<32x80x128xi32, #tpu.memory_space<hbm>> -> memref<1x80x128xi32, #tpu.memory_space<hbm>>
      %dma_wait3A_40 = tpu.memref_squeeze %dma_wait3A_39 : memref<1x80x128xi32, #tpu.memory_space<hbm>> -> memref<80x128xi32, #tpu.memory_space<hbm>>
      tpu.wait_dma2 semaphore(%run_scoped3A : memref<!tpu.dma_semaphore, #tpu.memory_space<semaphore_mem>>) src(%dma_wait3A_40 : memref<80x128xi32, #tpu.memory_space<hbm>>) dst(%arg7 : memref<80x128xi32, #tpu.memory_space<vmem>>)
      tpu.yield
    }) : () -> ()
    "tpu.region"() ({
      %run_scoped3A = tpu.sem_alloc : memref<!tpu.dma_semaphore, #tpu.memory_space<semaphore_mem>>
      %dma_start3A_26 = arith.constant 0 : i32
      %dma_start3A_27 = arith.constant 0 : i32
      %dma_start3A_28 = tpu.memref_slice %arg4[%add3A, %dma_start3A_26, %dma_start3A_27] : memref<32x80x128xi32, #tpu.memory_space<hbm>> -> memref<1x80x128xi32, #tpu.memory_space<hbm>>
      %dma_start3A_29 = tpu.memref_squeeze %dma_start3A_28 : memref<1x80x128xi32, #tpu.memory_space<hbm>> -> memref<80x128xi32, #tpu.memory_space<hbm>>
      %dma_start3A_30 = arith.constant 0 : i32
      %dma_start3A_31 = arith.constant 0 : i32
      %dma_start3A_32 = tpu.memref_slice %arg4[%add3A, %dma_start3A_30, %dma_start3A_31] : memref<32x80x128xi32, #tpu.memory_space<hbm>> -> memref<1x80x128xi32, #tpu.memory_space<hbm>>
      %dma_start3A_33 = tpu.memref_squeeze %dma_start3A_32 : memref<1x80x128xi32, #tpu.memory_space<hbm>> -> memref<80x128xi32, #tpu.memory_space<hbm>>
      tpu.enqueue_dma source(%dma_start3A_33 : memref<80x128xi32, #tpu.memory_space<hbm>>) target(%arg8 : memref<80x128xi32, #tpu.memory_space<vmem>>) target_semaphore(%run_scoped3A : memref<!tpu.dma_semaphore, #tpu.memory_space<semaphore_mem>>)
      %dma_wait3A = arith.constant 0 : i32
      %dma_wait3A_34 = arith.constant 0 : i32
      %dma_wait3A_35 = tpu.memref_slice %arg4[%add3A, %dma_wait3A, %dma_wait3A_34] : memref<32x80x128xi32, #tpu.memory_space<hbm>> -> memref<1x80x128xi32, #tpu.memory_space<hbm>>
      %dma_wait3A_36 = tpu.memref_squeeze %dma_wait3A_35 : memref<1x80x128xi32, #tpu.memory_space<hbm>> -> memref<80x128xi32, #tpu.memory_space<hbm>>
      %dma_wait3A_37 = arith.constant 0 : i32
      %dma_wait3A_38 = arith.constant 0 : i32
      %dma_wait3A_39 = tpu.memref_slice %arg4[%add3A, %dma_wait3A_37, %dma_wait3A_38] : memref<32x80x128xi32, #tpu.memory_space<hbm>> -> memref<1x80x128xi32, #tpu.memory_space<hbm>>
      %dma_wait3A_40 = tpu.memref_squeeze %dma_wait3A_39 : memref<1x80x128xi32, #tpu.memory_space<hbm>> -> memref<80x128xi32, #tpu.memory_space<hbm>>
      tpu.wait_dma2 semaphore(%run_scoped3A : memref<!tpu.dma_semaphore, #tpu.memory_space<semaphore_mem>>) src(%dma_wait3A_40 : memref<80x128xi32, #tpu.memory_space<hbm>>) dst(%arg8 : memref<80x128xi32, #tpu.memory_space<vmem>>)
      tpu.yield
    }) : () -> ()
    %lt3A = arith.constant 15 : i32
    %lt3A_1 = arith.cmpi slt, %arg1, %lt3A : i32
    %convert_element_type3A = arith.extui %lt3A_1 : i1 to i32
    %cond3A = arith.constant 0 : i32
    %cond3A_2 = arith.cmpi ne, %convert_element_type3A, %cond3A : i32
    scf.if %cond3A_2 {
      %mul3A_26 = arith.constant 632 : i32
      %mul3A_27 = arith.muli %arg1, %mul3A_26 : i32
      %mul3A_28 = arith.constant 632 : i32
      %mul3A_29 = arith.muli %arg1, %mul3A_28 : i32
      "tpu.region"() ({
        %run_scoped3A = tpu.sem_alloc : memref<!tpu.dma_semaphore, #tpu.memory_space<semaphore_mem>>
        %dma_start3A_30 = arith.constant 0 : i32
        %dma_start3A_31 = tpu.memref_slice %arg11[%mul3A_29, %dma_start3A_30] : memref<10112x64xf32, #tpu.memory_space<vmem_shared>> -> memref<632x64xf32, #tpu.memory_space<vmem_shared>>
        %dma_start3A_32 = arith.constant 0 : i32
        %dma_start3A_33 = tpu.memref_slice %arg2[%mul3A_27, %dma_start3A_32] : memref<10000x64xf32, #tpu.memory_space<hbm>> -> memref<632x64xf32, #tpu.memory_space<hbm>>
        tpu.enqueue_dma source(%dma_start3A_33 : memref<632x64xf32, #tpu.memory_space<hbm>>) target(%dma_start3A_31 : memref<632x64xf32, #tpu.memory_space<vmem_shared>>) target_semaphore(%run_scoped3A : memref<!tpu.dma_semaphore, #tpu.memory_space<semaphore_mem>>)
        %dma_wait3A = arith.constant 0 : i32
        %dma_wait3A_34 = tpu.memref_slice %arg11[%mul3A_29, %dma_wait3A] : memref<10112x64xf32, #tpu.memory_space<vmem_shared>> -> memref<632x64xf32, #tpu.memory_space<vmem_shared>>
        %dma_wait3A_35 = arith.constant 0 : i32
        %dma_wait3A_36 = tpu.memref_slice %arg2[%mul3A_27, %dma_wait3A_35] : memref<10000x64xf32, #tpu.memory_space<hbm>> -> memref<632x64xf32, #tpu.memory_space<hbm>>
        tpu.wait_dma2 semaphore(%run_scoped3A : memref<!tpu.dma_semaphore, #tpu.memory_space<semaphore_mem>>) src(%dma_wait3A_36 : memref<632x64xf32, #tpu.memory_space<hbm>>) dst(%dma_wait3A_34 : memref<632x64xf32, #tpu.memory_space<vmem_shared>>)
        tpu.yield
      }) : () -> ()
    } else {
    }
    %eq3A = arith.constant 15 : i32
    %eq3A_3 = arith.cmpi eq, %arg1, %eq3A : i32
    %convert_element_type3A_4 = arith.extui %eq3A_3 : i1 to i32
    %cond3A_5 = arith.constant 0 : i32
    %cond3A_6 = arith.cmpi ne, %convert_element_type3A_4, %cond3A_5 : i32
    scf.if %cond3A_6 {
      "tpu.region"() ({
        %run_scoped3A = tpu.sem_alloc : memref<!tpu.dma_semaphore, #tpu.memory_space<semaphore_mem>>
        %dma_start3A_26 = arith.constant 9480 : i32
        %dma_start3A_27 = arith.constant 0 : i32
        %dma_start3A_28 = tpu.memref_slice %arg11[%dma_start3A_26, %dma_start3A_27] : memref<10112x64xf32, #tpu.memory_space<vmem_shared>> -> memref<520x64xf32, #tpu.memory_space<vmem_shared>>
        %dma_start3A_29 = arith.constant 9480 : i32
        %dma_start3A_30 = arith.constant 0 : i32
        %dma_start3A_31 = tpu.memref_slice %arg2[%dma_start3A_29, %dma_start3A_30] : memref<10000x64xf32, #tpu.memory_space<hbm>> -> memref<520x64xf32, #tpu.memory_space<hbm>>
        tpu.enqueue_dma source(%dma_start3A_31 : memref<520x64xf32, #tpu.memory_space<hbm>>) target(%dma_start3A_28 : memref<520x64xf32, #tpu.memory_space<vmem_shared>>) target_semaphore(%run_scoped3A : memref<!tpu.dma_semaphore, #tpu.memory_space<semaphore_mem>>)
        %dma_wait3A = arith.constant 9480 : i32
        %dma_wait3A_32 = arith.constant 0 : i32
        %dma_wait3A_33 = tpu.memref_slice %arg11[%dma_wait3A, %dma_wait3A_32] : memref<10112x64xf32, #tpu.memory_space<vmem_shared>> -> memref<520x64xf32, #tpu.memory_space<vmem_shared>>
        %dma_wait3A_34 = arith.constant 9480 : i32
        %dma_wait3A_35 = arith.constant 0 : i32
        %dma_wait3A_36 = tpu.memref_slice %arg2[%dma_wait3A_34, %dma_wait3A_35] : memref<10000x64xf32, #tpu.memory_space<hbm>> -> memref<520x64xf32, #tpu.memory_space<hbm>>
        tpu.wait_dma2 semaphore(%run_scoped3A : memref<!tpu.dma_semaphore, #tpu.memory_space<semaphore_mem>>) src(%dma_wait3A_36 : memref<520x64xf32, #tpu.memory_space<hbm>>) dst(%dma_wait3A_33 : memref<520x64xf32, #tpu.memory_space<vmem_shared>>)
        tpu.yield
      }) : () -> ()
    } else {
    }
    %mul3A_7 = arith.constant 632 : i32
    %mul3A_8 = arith.muli %arg1, %mul3A_7 : i32
    "tpu.region"() ({
      %run_scoped3A = tpu.sem_alloc : memref<!tpu.dma_semaphore, #tpu.memory_space<semaphore_mem>>
      %dma_start3A_26 = arith.constant 0 : i32
      %dma_start3A_27 = tpu.memref_slice %arg12[%mul3A_8, %dma_start3A_26] : memref<10112x64xf32, #tpu.memory_space<vmem_shared>> -> memref<632x64xf32, #tpu.memory_space<vmem_shared>>
      tpu.enqueue_dma source(%arg5 : memref<632x64xf32, #tpu.memory_space<hbm>>) target(%dma_start3A_27 : memref<632x64xf32, #tpu.memory_space<vmem_shared>>) target_semaphore(%run_scoped3A : memref<!tpu.dma_semaphore, #tpu.memory_space<semaphore_mem>>)
      %dma_wait3A = arith.constant 0 : i32
      %dma_wait3A_28 = tpu.memref_slice %arg12[%mul3A_8, %dma_wait3A] : memref<10112x64xf32, #tpu.memory_space<vmem_shared>> -> memref<632x64xf32, #tpu.memory_space<vmem_shared>>
      tpu.wait_dma2 semaphore(%run_scoped3A : memref<!tpu.dma_semaphore, #tpu.memory_space<semaphore_mem>>) src(%arg5 : memref<632x64xf32, #tpu.memory_space<hbm>>) dst(%dma_wait3A_28 : memref<632x64xf32, #tpu.memory_space<vmem_shared>>)
      tpu.yield
    }) : () -> ()
    %barrier3A = arith.constant 0 : index
    tpu.barrier barrier_id(%barrier3A)
    %dma_start3A = arith.constant 0 : i32
    %dma_start3A_9 = arith.constant 0 : i32
    %dma_start3A_10 = tpu.memref_slice %arg7[%dma_start3A, %dma_start3A_9] : memref<80x128xi32, #tpu.memory_space<vmem>> -> memref<1x128xi32, #tpu.memory_space<vmem>>
    %dma_start3A_11 = tpu.memref_squeeze %dma_start3A_10 : memref<1x128xi32, #tpu.memory_space<vmem>> -> memref<128xi32, #tpu.memory_space<vmem>>
    %dma_start3A_12 = arith.constant 0 : i32
    %dma_start3A_13 = arith.constant 0 : i32
    %dma_start3A_14 = tpu.memref_slice %arg11[%dma_start3A_12, %dma_start3A_13] : memref<10112x64xf32, #tpu.memory_space<vmem_shared>> -> memref<10112x64xf32, #tpu.memory_space<vmem_shared>>
    tpu.enqueue_indirect_dma source(%dma_start3A_14 : memref<10112x64xf32, #tpu.memory_space<vmem_shared>>) target(%arg9 : memref<128x64xf32, #tpu.memory_space<vmem>>) offsets(%dma_start3A_11 : memref<128xi32, #tpu.memory_space<vmem>>) semaphore(%arg13 : memref<!tpu.dma_semaphore, #tpu.memory_space<semaphore_mem>>)
    %scan3A = arith.constant 0 : i32
    %scan3A_15 = arith.constant 0 : i32
    %scan3A_16 = arith.constant 40 : i32
    %scan3A_17 = arith.addi %scan3A_15, %scan3A_16 : i32
    %scan3A_18 = arith.constant 1 : i32
    scf.for %scan3A_26 = %scan3A_15 to %scan3A_17 step %scan3A_18  : i32 {
      %mul3A_27 = arith.constant 2 : i32
      %mul3A_28 = arith.muli %mul3A_27, %scan3A_26 : i32
      %add3A_29 = arith.constant 0 : i32
      %add3A_30 = arith.addi %mul3A_28, %add3A_29 : i32
      %add3A_31 = arith.constant 1 : i32
      %add3A_32 = arith.addi %mul3A_28, %add3A_31 : i32
      %dma_start3A_33 = arith.constant 0 : i32
      %dma_start3A_34 = tpu.memref_slice %arg7[%add3A_32, %dma_start3A_33] : memref<80x128xi32, #tpu.memory_space<vmem>> -> memref<1x128xi32, #tpu.memory_space<vmem>>
      %dma_start3A_35 = tpu.memref_squeeze %dma_start3A_34 : memref<1x128xi32, #tpu.memory_space<vmem>> -> memref<128xi32, #tpu.memory_space<vmem>>
      %dma_start3A_36 = arith.constant 0 : i32
      %dma_start3A_37 = arith.constant 0 : i32
      %dma_start3A_38 = tpu.memref_slice %arg11[%dma_start3A_36, %dma_start3A_37] : memref<10112x64xf32, #tpu.memory_space<vmem_shared>> -> memref<10112x64xf32, #tpu.memory_space<vmem_shared>>
      tpu.enqueue_indirect_dma source(%dma_start3A_38 : memref<10112x64xf32, #tpu.memory_space<vmem_shared>>) target(%arg10 : memref<128x64xf32, #tpu.memory_space<vmem>>) offsets(%dma_start3A_35 : memref<128xi32, #tpu.memory_space<vmem>>) semaphore(%arg14 : memref<!tpu.dma_semaphore, #tpu.memory_space<semaphore_mem>>)
      %dma_wait3A = arith.constant 0 : i32
      %dma_wait3A_39 = tpu.memref_slice %arg7[%add3A_30, %dma_wait3A] : memref<80x128xi32, #tpu.memory_space<vmem>> -> memref<1x128xi32, #tpu.memory_space<vmem>>
      %dma_wait3A_40 = tpu.memref_squeeze %dma_wait3A_39 : memref<1x128xi32, #tpu.memory_space<vmem>> -> memref<128xi32, #tpu.memory_space<vmem>>
      %dma_wait3A_41 = arith.constant 0 : i32
      %dma_wait3A_42 = arith.constant 0 : i32
      %dma_wait3A_43 = tpu.memref_slice %arg11[%dma_wait3A_41, %dma_wait3A_42] : memref<10112x64xf32, #tpu.memory_space<vmem_shared>> -> memref<10112x64xf32, #tpu.memory_space<vmem_shared>>
      tpu.wait_indirect_dma semaphore(%arg13 : memref<!tpu.dma_semaphore, #tpu.memory_space<semaphore_mem>>) src(%dma_wait3A_43 : memref<10112x64xf32, #tpu.memory_space<vmem_shared>>) dst(%arg9 : memref<128x64xf32, #tpu.memory_space<vmem>>)
      "tpu.region"() ({
        %run_scoped3A = tpu.sem_alloc : memref<!tpu.dma_semaphore, #tpu.memory_space<semaphore_mem>>
        %dma_start3A_57 = arith.constant 0 : i32
        %dma_start3A_58 = tpu.memref_slice %arg8[%add3A_30, %dma_start3A_57] : memref<80x128xi32, #tpu.memory_space<vmem>> -> memref<1x128xi32, #tpu.memory_space<vmem>>
        %dma_start3A_59 = tpu.memref_squeeze %dma_start3A_58 : memref<1x128xi32, #tpu.memory_space<vmem>> -> memref<128xi32, #tpu.memory_space<vmem>>
        %dma_start3A_60 = arith.constant 0 : i32
        %dma_start3A_61 = arith.constant 0 : i32
        %dma_start3A_62 = tpu.memref_slice %arg12[%dma_start3A_60, %dma_start3A_61] : memref<10112x64xf32, #tpu.memory_space<vmem_shared>> -> memref<10112x64xf32, #tpu.memory_space<vmem_shared>>
        tpu.enqueue_indirect_dma source(%arg9 : memref<128x64xf32, #tpu.memory_space<vmem>>) target(%dma_start3A_62 : memref<10112x64xf32, #tpu.memory_space<vmem_shared>>) offsets(%dma_start3A_59 : memref<128xi32, #tpu.memory_space<vmem>>) semaphore(%run_scoped3A : memref<!tpu.dma_semaphore, #tpu.memory_space<semaphore_mem>>) {add = true}
        %dma_wait3A_63 = arith.constant 0 : i32
        %dma_wait3A_64 = tpu.memref_slice %arg8[%add3A_30, %dma_wait3A_63] : memref<80x128xi32, #tpu.memory_space<vmem>> -> memref<1x128xi32, #tpu.memory_space<vmem>>
        %dma_wait3A_65 = tpu.memref_squeeze %dma_wait3A_64 : memref<1x128xi32, #tpu.memory_space<vmem>> -> memref<128xi32, #tpu.memory_space<vmem>>
        %dma_wait3A_66 = arith.constant 0 : i32
        %dma_wait3A_67 = arith.constant 0 : i32
        %dma_wait3A_68 = tpu.memref_slice %arg12[%dma_wait3A_66, %dma_wait3A_67] : memref<10112x64xf32, #tpu.memory_space<vmem_shared>> -> memref<10112x64xf32, #tpu.memory_space<vmem_shared>>
        tpu.wait_indirect_dma semaphore(%run_scoped3A : memref<!tpu.dma_semaphore, #tpu.memory_space<semaphore_mem>>) src(%arg9 : memref<128x64xf32, #tpu.memory_space<vmem>>) dst(%dma_wait3A_68 : memref<10112x64xf32, #tpu.memory_space<vmem_shared>>)
        tpu.yield
      }) : () -> ()
      %add3A_44 = arith.constant 1 : i32
      %add3A_45 = arith.addi %mul3A_28, %add3A_44 : i32
      %lt3A_46 = arith.constant 39 : i32
      %lt3A_47 = arith.cmpi slt, %scan3A_26, %lt3A_46 : i32
      %convert_element_type3A_48 = arith.extui %lt3A_47 : i1 to i32
      %cond3A_49 = arith.constant 0 : i32
      %cond3A_50 = arith.cmpi ne, %convert_element_type3A_48, %cond3A_49 : i32
      scf.if %cond3A_50 {
        %add3A_57 = arith.constant 2 : i32
        %add3A_58 = arith.addi %mul3A_28, %add3A_57 : i32
        %dma_start3A_59 = arith.constant 0 : i32
        %dma_start3A_60 = tpu.memref_slice %arg7[%add3A_58, %dma_start3A_59] : memref<80x128xi32, #tpu.memory_space<vmem>> -> memref<1x128xi32, #tpu.memory_space<vmem>>
        %dma_start3A_61 = tpu.memref_squeeze %dma_start3A_60 : memref<1x128xi32, #tpu.memory_space<vmem>> -> memref<128xi32, #tpu.memory_space<vmem>>
        %dma_start3A_62 = arith.constant 0 : i32
        %dma_start3A_63 = arith.constant 0 : i32
        %dma_start3A_64 = tpu.memref_slice %arg11[%dma_start3A_62, %dma_start3A_63] : memref<10112x64xf32, #tpu.memory_space<vmem_shared>> -> memref<10112x64xf32, #tpu.memory_space<vmem_shared>>
        tpu.enqueue_indirect_dma source(%dma_start3A_64 : memref<10112x64xf32, #tpu.memory_space<vmem_shared>>) target(%arg9 : memref<128x64xf32, #tpu.memory_space<vmem>>) offsets(%dma_start3A_61 : memref<128xi32, #tpu.memory_space<vmem>>) semaphore(%arg13 : memref<!tpu.dma_semaphore, #tpu.memory_space<semaphore_mem>>)
      } else {
      }
      %dma_wait3A_51 = arith.constant 0 : i32
      %dma_wait3A_52 = tpu.memref_slice %arg7[%add3A_45, %dma_wait3A_51] : memref<80x128xi32, #tpu.memory_space<vmem>> -> memref<1x128xi32, #tpu.memory_space<vmem>>
      %dma_wait3A_53 = tpu.memref_squeeze %dma_wait3A_52 : memref<1x128xi32, #tpu.memory_space<vmem>> -> memref<128xi32, #tpu.memory_space<vmem>>
      %dma_wait3A_54 = arith.constant 0 : i32
      %dma_wait3A_55 = arith.constant 0 : i32
      %dma_wait3A_56 = tpu.memref_slice %arg11[%dma_wait3A_54, %dma_wait3A_55] : memref<10112x64xf32, #tpu.memory_space<vmem_shared>> -> memref<10112x64xf32, #tpu.memory_space<vmem_shared>>
      tpu.wait_indirect_dma semaphore(%arg14 : memref<!tpu.dma_semaphore, #tpu.memory_space<semaphore_mem>>) src(%dma_wait3A_56 : memref<10112x64xf32, #tpu.memory_space<vmem_shared>>) dst(%arg10 : memref<128x64xf32, #tpu.memory_space<vmem>>)
      "tpu.region"() ({
        %run_scoped3A = tpu.sem_alloc : memref<!tpu.dma_semaphore, #tpu.memory_space<semaphore_mem>>
        %dma_start3A_57 = arith.constant 0 : i32
        %dma_start3A_58 = tpu.memref_slice %arg8[%add3A_45, %dma_start3A_57] : memref<80x128xi32, #tpu.memory_space<vmem>> -> memref<1x128xi32, #tpu.memory_space<vmem>>
        %dma_start3A_59 = tpu.memref_squeeze %dma_start3A_58 : memref<1x128xi32, #tpu.memory_space<vmem>> -> memref<128xi32, #tpu.memory_space<vmem>>
        %dma_start3A_60 = arith.constant 0 : i32
        %dma_start3A_61 = arith.constant 0 : i32
        %dma_start3A_62 = tpu.memref_slice %arg12[%dma_start3A_60, %dma_start3A_61] : memref<10112x64xf32, #tpu.memory_space<vmem_shared>> -> memref<10112x64xf32, #tpu.memory_space<vmem_shared>>
        tpu.enqueue_indirect_dma source(%arg10 : memref<128x64xf32, #tpu.memory_space<vmem>>) target(%dma_start3A_62 : memref<10112x64xf32, #tpu.memory_space<vmem_shared>>) offsets(%dma_start3A_59 : memref<128xi32, #tpu.memory_space<vmem>>) semaphore(%run_scoped3A : memref<!tpu.dma_semaphore, #tpu.memory_space<semaphore_mem>>) {add = true}
        %dma_wait3A_63 = arith.constant 0 : i32
        %dma_wait3A_64 = tpu.memref_slice %arg8[%add3A_45, %dma_wait3A_63] : memref<80x128xi32, #tpu.memory_space<vmem>> -> memref<1x128xi32, #tpu.memory_space<vmem>>
        %dma_wait3A_65 = tpu.memref_squeeze %dma_wait3A_64 : memref<1x128xi32, #tpu.memory_space<vmem>> -> memref<128xi32, #tpu.memory_space<vmem>>
        %dma_wait3A_66 = arith.constant 0 : i32
        %dma_wait3A_67 = arith.constant 0 : i32
        %dma_wait3A_68 = tpu.memref_slice %arg12[%dma_wait3A_66, %dma_wait3A_67] : memref<10112x64xf32, #tpu.memory_space<vmem_shared>> -> memref<10112x64xf32, #tpu.memory_space<vmem_shared>>
        tpu.wait_indirect_dma semaphore(%run_scoped3A : memref<!tpu.dma_semaphore, #tpu.memory_space<semaphore_mem>>) src(%arg10 : memref<128x64xf32, #tpu.memory_space<vmem>>) dst(%dma_wait3A_68 : memref<10112x64xf32, #tpu.memory_space<vmem_shared>>)
        tpu.yield
      }) : () -> ()
    }
    %scan3A_19 = arith.constant 40 : i32
    %barrier3A_20 = arith.constant 0 : index
    tpu.barrier barrier_id(%barrier3A_20)
    %mul3A_21 = arith.constant 632 : i32
    %mul3A_22 = arith.muli %arg1, %mul3A_21 : i32
    %mul3A_23 = arith.constant 632 : i32
    %mul3A_24 = arith.muli %arg1, %mul3A_23 : i32
    "tpu.region"() ({
      %run_scoped3A = tpu.sem_alloc : memref<!tpu.dma_semaphore, #tpu.memory_space<semaphore_mem>>
      %dma_start3A_26 = arith.constant 0 : i32
      %dma_start3A_27 = tpu.memref_slice %arg6[%arg0, %mul3A_24, %dma_start3A_26] : memref<2x10112x64xf32, #tpu.memory_space<hbm>> -> memref<1x632x64xf32, #tpu.memory_space<hbm>>
      %dma_start3A_28 = tpu.memref_squeeze %dma_start3A_27 : memref<1x632x64xf32, #tpu.memory_space<hbm>> -> memref<632x64xf32, #tpu.memory_space<hbm>>
      %dma_start3A_29 = arith.constant 0 : i32
      %dma_start3A_30 = tpu.memref_slice %arg12[%mul3A_22, %dma_start3A_29] : memref<10112x64xf32, #tpu.memory_space<vmem_shared>> -> memref<632x64xf32, #tpu.memory_space<vmem_shared>>
      tpu.enqueue_dma source(%dma_start3A_30 : memref<632x64xf32, #tpu.memory_space<vmem_shared>>) target(%dma_start3A_28 : memref<632x64xf32, #tpu.memory_space<hbm>>) target_semaphore(%run_scoped3A : memref<!tpu.dma_semaphore, #tpu.memory_space<semaphore_mem>>)
      %dma_wait3A = arith.constant 0 : i32
      %dma_wait3A_31 = tpu.memref_slice %arg6[%arg0, %mul3A_24, %dma_wait3A] : memref<2x10112x64xf32, #tpu.memory_space<hbm>> -> memref<1x632x64xf32, #tpu.memory_space<hbm>>
      %dma_wait3A_32 = tpu.memref_squeeze %dma_wait3A_31 : memref<1x632x64xf32, #tpu.memory_space<hbm>> -> memref<632x64xf32, #tpu.memory_space<hbm>>
      %dma_wait3A_33 = arith.constant 0 : i32
      %dma_wait3A_34 = tpu.memref_slice %arg12[%mul3A_22, %dma_wait3A_33] : memref<10112x64xf32, #tpu.memory_space<vmem_shared>> -> memref<632x64xf32, #tpu.memory_space<vmem_shared>>
      tpu.wait_dma2 semaphore(%run_scoped3A : memref<!tpu.dma_semaphore, #tpu.memory_space<semaphore_mem>>) src(%dma_wait3A_34 : memref<632x64xf32, #tpu.memory_space<vmem_shared>>) dst(%dma_wait3A_32 : memref<632x64xf32, #tpu.memory_space<hbm>>)
      tpu.yield
    }) : () -> ()
    %barrier3A_25 = arith.constant 0 : index
    tpu.barrier barrier_id(%barrier3A_25)
    return
  }
}

#map = affine_map<(d0, d1) -> (0, 0)>
#map1 = affine_map<(d0, d1) -> (0, 0, 0)>
module attributes {stable_mosaic.version = 14 : i64} {
  func.func @body(%arg0: i32, %arg1: i32, %arg2: memref<10000x64xf32, #tpu.memory_space<hbm>>, %arg3: memref<10000x64xf32, #tpu.memory_space<hbm>>, %arg4: memref<32x80x128xi32, #tpu.memory_space<hbm>>, %arg5: memref<32x80x128xi32, #tpu.memory_space<hbm>>, %arg6: memref<632x64xf32, #tpu.memory_space<hbm>>, %arg7: memref<2x10112x64xf32, #tpu.memory_space<hbm>>, %arg8: memref<2x10112x64xf32, #tpu.memory_space<hbm>>, %arg9: memref<80x128xi32, #tpu.memory_space<vmem>>, %arg10: memref<80x128xi32, #tpu.memory_space<vmem>>, %arg11: memref<128x64xf32, #tpu.memory_space<vmem>>, %arg12: memref<128x64xf32, #tpu.memory_space<vmem>>, %arg13: memref<10112x64xf32, #tpu.memory_space<vmem_shared>>, %arg14: memref<10112x64xf32, #tpu.memory_space<vmem_shared>>, %arg15: memref<!tpu.dma_semaphore, #tpu.memory_space<semaphore_mem>>, %arg16: memref<!tpu.dma_semaphore, #tpu.memory_space<semaphore_mem>>) attributes {dimension_semantics = [#tpu.dimension_semantics<core_parallel>, #tpu.dimension_semantics<subcore_parallel>], iteration_bounds = array<i64: 2, 16>, scalar_prefetch = 0 : i64, scratch_operands = 8 : i64, tpu.core_type = #tpu.core_type<sc_vector_subcore>, window_params = [{transform_indices = #map}, {transform_indices = #map}, {transform_indices = #map1}, {transform_indices = #map1}, {transform_indices = #map}, {transform_indices = #map1}, {transform_indices = #map1}]} {
    %mul3A = arith.constant 16 : i32
    %mul3A_0 = arith.muli %arg0, %mul3A : i32
    %add3A = arith.addi %mul3A_0, %arg1 : i32
    "tpu.region"() ({
      %run_scoped3A = tpu.sem_alloc : memref<!tpu.dma_semaphore, #tpu.memory_space<semaphore_mem>>
      %dma_start3A_58 = arith.constant 0 : i32
      %dma_start3A_59 = arith.constant 0 : i32
      %dma_start3A_60 = tpu.memref_slice %arg4[%add3A, %dma_start3A_58, %dma_start3A_59] : memref<32x80x128xi32, #tpu.memory_space<hbm>> -> memref<1x80x128xi32, #tpu.memory_space<hbm>>
      %dma_start3A_61 = tpu.memref_squeeze %dma_start3A_60 : memref<1x80x128xi32, #tpu.memory_space<hbm>> -> memref<80x128xi32, #tpu.memory_space<hbm>>
      %dma_start3A_62 = arith.constant 0 : i32
      %dma_start3A_63 = arith.constant 0 : i32
      %dma_start3A_64 = tpu.memref_slice %arg4[%add3A, %dma_start3A_62, %dma_start3A_63] : memref<32x80x128xi32, #tpu.memory_space<hbm>> -> memref<1x80x128xi32, #tpu.memory_space<hbm>>
      %dma_start3A_65 = tpu.memref_squeeze %dma_start3A_64 : memref<1x80x128xi32, #tpu.memory_space<hbm>> -> memref<80x128xi32, #tpu.memory_space<hbm>>
      tpu.enqueue_dma source(%dma_start3A_65 : memref<80x128xi32, #tpu.memory_space<hbm>>) target(%arg9 : memref<80x128xi32, #tpu.memory_space<vmem>>) target_semaphore(%run_scoped3A : memref<!tpu.dma_semaphore, #tpu.memory_space<semaphore_mem>>)
      %dma_wait3A = arith.constant 0 : i32
      %dma_wait3A_66 = arith.constant 0 : i32
      %dma_wait3A_67 = tpu.memref_slice %arg4[%add3A, %dma_wait3A, %dma_wait3A_66] : memref<32x80x128xi32, #tpu.memory_space<hbm>> -> memref<1x80x128xi32, #tpu.memory_space<hbm>>
      %dma_wait3A_68 = tpu.memref_squeeze %dma_wait3A_67 : memref<1x80x128xi32, #tpu.memory_space<hbm>> -> memref<80x128xi32, #tpu.memory_space<hbm>>
      %dma_wait3A_69 = arith.constant 0 : i32
      %dma_wait3A_70 = arith.constant 0 : i32
      %dma_wait3A_71 = tpu.memref_slice %arg4[%add3A, %dma_wait3A_69, %dma_wait3A_70] : memref<32x80x128xi32, #tpu.memory_space<hbm>> -> memref<1x80x128xi32, #tpu.memory_space<hbm>>
      %dma_wait3A_72 = tpu.memref_squeeze %dma_wait3A_71 : memref<1x80x128xi32, #tpu.memory_space<hbm>> -> memref<80x128xi32, #tpu.memory_space<hbm>>
      tpu.wait_dma2 semaphore(%run_scoped3A : memref<!tpu.dma_semaphore, #tpu.memory_space<semaphore_mem>>) src(%dma_wait3A_72 : memref<80x128xi32, #tpu.memory_space<hbm>>) dst(%arg9 : memref<80x128xi32, #tpu.memory_space<vmem>>)
      tpu.yield
    }) : () -> ()
    "tpu.region"() ({
      %run_scoped3A = tpu.sem_alloc : memref<!tpu.dma_semaphore, #tpu.memory_space<semaphore_mem>>
      %dma_start3A_58 = arith.constant 0 : i32
      %dma_start3A_59 = arith.constant 0 : i32
      %dma_start3A_60 = tpu.memref_slice %arg5[%add3A, %dma_start3A_58, %dma_start3A_59] : memref<32x80x128xi32, #tpu.memory_space<hbm>> -> memref<1x80x128xi32, #tpu.memory_space<hbm>>
      %dma_start3A_61 = tpu.memref_squeeze %dma_start3A_60 : memref<1x80x128xi32, #tpu.memory_space<hbm>> -> memref<80x128xi32, #tpu.memory_space<hbm>>
      %dma_start3A_62 = arith.constant 0 : i32
      %dma_start3A_63 = arith.constant 0 : i32
      %dma_start3A_64 = tpu.memref_slice %arg5[%add3A, %dma_start3A_62, %dma_start3A_63] : memref<32x80x128xi32, #tpu.memory_space<hbm>> -> memref<1x80x128xi32, #tpu.memory_space<hbm>>
      %dma_start3A_65 = tpu.memref_squeeze %dma_start3A_64 : memref<1x80x128xi32, #tpu.memory_space<hbm>> -> memref<80x128xi32, #tpu.memory_space<hbm>>
      tpu.enqueue_dma source(%dma_start3A_65 : memref<80x128xi32, #tpu.memory_space<hbm>>) target(%arg10 : memref<80x128xi32, #tpu.memory_space<vmem>>) target_semaphore(%run_scoped3A : memref<!tpu.dma_semaphore, #tpu.memory_space<semaphore_mem>>)
      %dma_wait3A = arith.constant 0 : i32
      %dma_wait3A_66 = arith.constant 0 : i32
      %dma_wait3A_67 = tpu.memref_slice %arg5[%add3A, %dma_wait3A, %dma_wait3A_66] : memref<32x80x128xi32, #tpu.memory_space<hbm>> -> memref<1x80x128xi32, #tpu.memory_space<hbm>>
      %dma_wait3A_68 = tpu.memref_squeeze %dma_wait3A_67 : memref<1x80x128xi32, #tpu.memory_space<hbm>> -> memref<80x128xi32, #tpu.memory_space<hbm>>
      %dma_wait3A_69 = arith.constant 0 : i32
      %dma_wait3A_70 = arith.constant 0 : i32
      %dma_wait3A_71 = tpu.memref_slice %arg5[%add3A, %dma_wait3A_69, %dma_wait3A_70] : memref<32x80x128xi32, #tpu.memory_space<hbm>> -> memref<1x80x128xi32, #tpu.memory_space<hbm>>
      %dma_wait3A_72 = tpu.memref_squeeze %dma_wait3A_71 : memref<1x80x128xi32, #tpu.memory_space<hbm>> -> memref<80x128xi32, #tpu.memory_space<hbm>>
      tpu.wait_dma2 semaphore(%run_scoped3A : memref<!tpu.dma_semaphore, #tpu.memory_space<semaphore_mem>>) src(%dma_wait3A_72 : memref<80x128xi32, #tpu.memory_space<hbm>>) dst(%arg10 : memref<80x128xi32, #tpu.memory_space<vmem>>)
      tpu.yield
    }) : () -> ()
    %lt3A = arith.constant 15 : i32
    %lt3A_1 = arith.cmpi slt, %arg1, %lt3A : i32
    %convert_element_type3A = arith.extui %lt3A_1 : i1 to i32
    %cond3A = arith.constant 0 : i32
    %cond3A_2 = arith.cmpi ne, %convert_element_type3A, %cond3A : i32
    scf.if %cond3A_2 {
      %mul3A_58 = arith.constant 632 : i32
      %mul3A_59 = arith.muli %arg1, %mul3A_58 : i32
      %mul3A_60 = arith.constant 632 : i32
      %mul3A_61 = arith.muli %arg1, %mul3A_60 : i32
      "tpu.region"() ({
        %run_scoped3A = tpu.sem_alloc : memref<!tpu.dma_semaphore, #tpu.memory_space<semaphore_mem>>
        %dma_start3A_62 = arith.constant 0 : i32
        %dma_start3A_63 = tpu.memref_slice %arg13[%mul3A_61, %dma_start3A_62] : memref<10112x64xf32, #tpu.memory_space<vmem_shared>> -> memref<632x64xf32, #tpu.memory_space<vmem_shared>>
        %dma_start3A_64 = arith.constant 0 : i32
        %dma_start3A_65 = tpu.memref_slice %arg2[%mul3A_59, %dma_start3A_64] : memref<10000x64xf32, #tpu.memory_space<hbm>> -> memref<632x64xf32, #tpu.memory_space<hbm>>
        tpu.enqueue_dma source(%dma_start3A_65 : memref<632x64xf32, #tpu.memory_space<hbm>>) target(%dma_start3A_63 : memref<632x64xf32, #tpu.memory_space<vmem_shared>>) target_semaphore(%run_scoped3A : memref<!tpu.dma_semaphore, #tpu.memory_space<semaphore_mem>>)
        %dma_wait3A = arith.constant 0 : i32
        %dma_wait3A_66 = tpu.memref_slice %arg13[%mul3A_61, %dma_wait3A] : memref<10112x64xf32, #tpu.memory_space<vmem_shared>> -> memref<632x64xf32, #tpu.memory_space<vmem_shared>>
        %dma_wait3A_67 = arith.constant 0 : i32
        %dma_wait3A_68 = tpu.memref_slice %arg2[%mul3A_59, %dma_wait3A_67] : memref<10000x64xf32, #tpu.memory_space<hbm>> -> memref<632x64xf32, #tpu.memory_space<hbm>>
        tpu.wait_dma2 semaphore(%run_scoped3A : memref<!tpu.dma_semaphore, #tpu.memory_space<semaphore_mem>>) src(%dma_wait3A_68 : memref<632x64xf32, #tpu.memory_space<hbm>>) dst(%dma_wait3A_66 : memref<632x64xf32, #tpu.memory_space<vmem_shared>>)
        tpu.yield
      }) : () -> ()
    } else {
    }
    %eq3A = arith.constant 15 : i32
    %eq3A_3 = arith.cmpi eq, %arg1, %eq3A : i32
    %convert_element_type3A_4 = arith.extui %eq3A_3 : i1 to i32
    %cond3A_5 = arith.constant 0 : i32
    %cond3A_6 = arith.cmpi ne, %convert_element_type3A_4, %cond3A_5 : i32
    scf.if %cond3A_6 {
      "tpu.region"() ({
        %run_scoped3A = tpu.sem_alloc : memref<!tpu.dma_semaphore, #tpu.memory_space<semaphore_mem>>
        %dma_start3A_58 = arith.constant 9480 : i32
        %dma_start3A_59 = arith.constant 0 : i32
        %dma_start3A_60 = tpu.memref_slice %arg13[%dma_start3A_58, %dma_start3A_59] : memref<10112x64xf32, #tpu.memory_space<vmem_shared>> -> memref<520x64xf32, #tpu.memory_space<vmem_shared>>
        %dma_start3A_61 = arith.constant 9480 : i32
        %dma_start3A_62 = arith.constant 0 : i32
        %dma_start3A_63 = tpu.memref_slice %arg2[%dma_start3A_61, %dma_start3A_62] : memref<10000x64xf32, #tpu.memory_space<hbm>> -> memref<520x64xf32, #tpu.memory_space<hbm>>
        tpu.enqueue_dma source(%dma_start3A_63 : memref<520x64xf32, #tpu.memory_space<hbm>>) target(%dma_start3A_60 : memref<520x64xf32, #tpu.memory_space<vmem_shared>>) target_semaphore(%run_scoped3A : memref<!tpu.dma_semaphore, #tpu.memory_space<semaphore_mem>>)
        %dma_wait3A = arith.constant 9480 : i32
        %dma_wait3A_64 = arith.constant 0 : i32
        %dma_wait3A_65 = tpu.memref_slice %arg13[%dma_wait3A, %dma_wait3A_64] : memref<10112x64xf32, #tpu.memory_space<vmem_shared>> -> memref<520x64xf32, #tpu.memory_space<vmem_shared>>
        %dma_wait3A_66 = arith.constant 9480 : i32
        %dma_wait3A_67 = arith.constant 0 : i32
        %dma_wait3A_68 = tpu.memref_slice %arg2[%dma_wait3A_66, %dma_wait3A_67] : memref<10000x64xf32, #tpu.memory_space<hbm>> -> memref<520x64xf32, #tpu.memory_space<hbm>>
        tpu.wait_dma2 semaphore(%run_scoped3A : memref<!tpu.dma_semaphore, #tpu.memory_space<semaphore_mem>>) src(%dma_wait3A_68 : memref<520x64xf32, #tpu.memory_space<hbm>>) dst(%dma_wait3A_65 : memref<520x64xf32, #tpu.memory_space<vmem_shared>>)
        tpu.yield
      }) : () -> ()
    } else {
    }
    %mul3A_7 = arith.constant 632 : i32
    %mul3A_8 = arith.muli %arg1, %mul3A_7 : i32
    "tpu.region"() ({
      %run_scoped3A = tpu.sem_alloc : memref<!tpu.dma_semaphore, #tpu.memory_space<semaphore_mem>>
      %dma_start3A_58 = arith.constant 0 : i32
      %dma_start3A_59 = tpu.memref_slice %arg14[%mul3A_8, %dma_start3A_58] : memref<10112x64xf32, #tpu.memory_space<vmem_shared>> -> memref<632x64xf32, #tpu.memory_space<vmem_shared>>
      tpu.enqueue_dma source(%arg6 : memref<632x64xf32, #tpu.memory_space<hbm>>) target(%dma_start3A_59 : memref<632x64xf32, #tpu.memory_space<vmem_shared>>) target_semaphore(%run_scoped3A : memref<!tpu.dma_semaphore, #tpu.memory_space<semaphore_mem>>)
      %dma_wait3A = arith.constant 0 : i32
      %dma_wait3A_60 = tpu.memref_slice %arg14[%mul3A_8, %dma_wait3A] : memref<10112x64xf32, #tpu.memory_space<vmem_shared>> -> memref<632x64xf32, #tpu.memory_space<vmem_shared>>
      tpu.wait_dma2 semaphore(%run_scoped3A : memref<!tpu.dma_semaphore, #tpu.memory_space<semaphore_mem>>) src(%arg6 : memref<632x64xf32, #tpu.memory_space<hbm>>) dst(%dma_wait3A_60 : memref<632x64xf32, #tpu.memory_space<vmem_shared>>)
      tpu.yield
    }) : () -> ()
    %barrier3A = arith.constant 0 : index
    tpu.barrier barrier_id(%barrier3A)
    %dma_start3A = arith.constant 0 : i32
    %dma_start3A_9 = arith.constant 0 : i32
    %dma_start3A_10 = tpu.memref_slice %arg9[%dma_start3A, %dma_start3A_9] : memref<80x128xi32, #tpu.memory_space<vmem>> -> memref<1x128xi32, #tpu.memory_space<vmem>>
    %dma_start3A_11 = tpu.memref_squeeze %dma_start3A_10 : memref<1x128xi32, #tpu.memory_space<vmem>> -> memref<128xi32, #tpu.memory_space<vmem>>
    %dma_start3A_12 = arith.constant 0 : i32
    %dma_start3A_13 = arith.constant 0 : i32
    %dma_start3A_14 = tpu.memref_slice %arg13[%dma_start3A_12, %dma_start3A_13] : memref<10112x64xf32, #tpu.memory_space<vmem_shared>> -> memref<10112x64xf32, #tpu.memory_space<vmem_shared>>
    tpu.enqueue_indirect_dma source(%dma_start3A_14 : memref<10112x64xf32, #tpu.memory_space<vmem_shared>>) target(%arg11 : memref<128x64xf32, #tpu.memory_space<vmem>>) offsets(%dma_start3A_11 : memref<128xi32, #tpu.memory_space<vmem>>) semaphore(%arg15 : memref<!tpu.dma_semaphore, #tpu.memory_space<semaphore_mem>>)
    %scan3A = arith.constant 0 : i32
    %scan3A_15 = arith.constant 0 : i32
    %scan3A_16 = arith.constant 40 : i32
    %scan3A_17 = arith.addi %scan3A_15, %scan3A_16 : i32
    %scan3A_18 = arith.constant 1 : i32
    scf.for %scan3A_58 = %scan3A_15 to %scan3A_17 step %scan3A_18  : i32 {
      %mul3A_59 = arith.constant 2 : i32
      %mul3A_60 = arith.muli %mul3A_59, %scan3A_58 : i32
      %add3A_61 = arith.constant 0 : i32
      %add3A_62 = arith.addi %mul3A_60, %add3A_61 : i32
      %add3A_63 = arith.constant 1 : i32
      %add3A_64 = arith.addi %mul3A_60, %add3A_63 : i32
      %dma_start3A_65 = arith.constant 0 : i32
      %dma_start3A_66 = tpu.memref_slice %arg9[%add3A_64, %dma_start3A_65] : memref<80x128xi32, #tpu.memory_space<vmem>> -> memref<1x128xi32, #tpu.memory_space<vmem>>
      %dma_start3A_67 = tpu.memref_squeeze %dma_start3A_66 : memref<1x128xi32, #tpu.memory_space<vmem>> -> memref<128xi32, #tpu.memory_space<vmem>>
      %dma_start3A_68 = arith.constant 0 : i32
      %dma_start3A_69 = arith.constant 0 : i32
      %dma_start3A_70 = tpu.memref_slice %arg13[%dma_start3A_68, %dma_start3A_69] : memref<10112x64xf32, #tpu.memory_space<vmem_shared>> -> memref<10112x64xf32, #tpu.memory_space<vmem_shared>>
      tpu.enqueue_indirect_dma source(%dma_start3A_70 : memref<10112x64xf32, #tpu.memory_space<vmem_shared>>) target(%arg12 : memref<128x64xf32, #tpu.memory_space<vmem>>) offsets(%dma_start3A_67 : memref<128xi32, #tpu.memory_space<vmem>>) semaphore(%arg16 : memref<!tpu.dma_semaphore, #tpu.memory_space<semaphore_mem>>)
      %dma_wait3A = arith.constant 0 : i32
      %dma_wait3A_71 = tpu.memref_slice %arg9[%add3A_62, %dma_wait3A] : memref<80x128xi32, #tpu.memory_space<vmem>> -> memref<1x128xi32, #tpu.memory_space<vmem>>
      %dma_wait3A_72 = tpu.memref_squeeze %dma_wait3A_71 : memref<1x128xi32, #tpu.memory_space<vmem>> -> memref<128xi32, #tpu.memory_space<vmem>>
      %dma_wait3A_73 = arith.constant 0 : i32
      %dma_wait3A_74 = arith.constant 0 : i32
      %dma_wait3A_75 = tpu.memref_slice %arg13[%dma_wait3A_73, %dma_wait3A_74] : memref<10112x64xf32, #tpu.memory_space<vmem_shared>> -> memref<10112x64xf32, #tpu.memory_space<vmem_shared>>
      tpu.wait_indirect_dma semaphore(%arg15 : memref<!tpu.dma_semaphore, #tpu.memory_space<semaphore_mem>>) src(%dma_wait3A_75 : memref<10112x64xf32, #tpu.memory_space<vmem_shared>>) dst(%arg11 : memref<128x64xf32, #tpu.memory_space<vmem>>)
      "tpu.region"() ({
        %run_scoped3A = tpu.sem_alloc : memref<!tpu.dma_semaphore, #tpu.memory_space<semaphore_mem>>
        %dma_start3A_89 = arith.constant 0 : i32
        %dma_start3A_90 = tpu.memref_slice %arg10[%add3A_62, %dma_start3A_89] : memref<80x128xi32, #tpu.memory_space<vmem>> -> memref<1x128xi32, #tpu.memory_space<vmem>>
        %dma_start3A_91 = tpu.memref_squeeze %dma_start3A_90 : memref<1x128xi32, #tpu.memory_space<vmem>> -> memref<128xi32, #tpu.memory_space<vmem>>
        %dma_start3A_92 = arith.constant 0 : i32
        %dma_start3A_93 = arith.constant 0 : i32
        %dma_start3A_94 = tpu.memref_slice %arg14[%dma_start3A_92, %dma_start3A_93] : memref<10112x64xf32, #tpu.memory_space<vmem_shared>> -> memref<10112x64xf32, #tpu.memory_space<vmem_shared>>
        tpu.enqueue_indirect_dma source(%arg11 : memref<128x64xf32, #tpu.memory_space<vmem>>) target(%dma_start3A_94 : memref<10112x64xf32, #tpu.memory_space<vmem_shared>>) offsets(%dma_start3A_91 : memref<128xi32, #tpu.memory_space<vmem>>) semaphore(%run_scoped3A : memref<!tpu.dma_semaphore, #tpu.memory_space<semaphore_mem>>) {add = true}
        %dma_wait3A_95 = arith.constant 0 : i32
        %dma_wait3A_96 = tpu.memref_slice %arg10[%add3A_62, %dma_wait3A_95] : memref<80x128xi32, #tpu.memory_space<vmem>> -> memref<1x128xi32, #tpu.memory_space<vmem>>
        %dma_wait3A_97 = tpu.memref_squeeze %dma_wait3A_96 : memref<1x128xi32, #tpu.memory_space<vmem>> -> memref<128xi32, #tpu.memory_space<vmem>>
        %dma_wait3A_98 = arith.constant 0 : i32
        %dma_wait3A_99 = arith.constant 0 : i32
        %dma_wait3A_100 = tpu.memref_slice %arg14[%dma_wait3A_98, %dma_wait3A_99] : memref<10112x64xf32, #tpu.memory_space<vmem_shared>> -> memref<10112x64xf32, #tpu.memory_space<vmem_shared>>
        tpu.wait_indirect_dma semaphore(%run_scoped3A : memref<!tpu.dma_semaphore, #tpu.memory_space<semaphore_mem>>) src(%arg11 : memref<128x64xf32, #tpu.memory_space<vmem>>) dst(%dma_wait3A_100 : memref<10112x64xf32, #tpu.memory_space<vmem_shared>>)
        tpu.yield
      }) : () -> ()
      %add3A_76 = arith.constant 1 : i32
      %add3A_77 = arith.addi %mul3A_60, %add3A_76 : i32
      %lt3A_78 = arith.constant 39 : i32
      %lt3A_79 = arith.cmpi slt, %scan3A_58, %lt3A_78 : i32
      %convert_element_type3A_80 = arith.extui %lt3A_79 : i1 to i32
      %cond3A_81 = arith.constant 0 : i32
      %cond3A_82 = arith.cmpi ne, %convert_element_type3A_80, %cond3A_81 : i32
      scf.if %cond3A_82 {
        %add3A_89 = arith.constant 2 : i32
        %add3A_90 = arith.addi %mul3A_60, %add3A_89 : i32
        %dma_start3A_91 = arith.constant 0 : i32
        %dma_start3A_92 = tpu.memref_slice %arg9[%add3A_90, %dma_start3A_91] : memref<80x128xi32, #tpu.memory_space<vmem>> -> memref<1x128xi32, #tpu.memory_space<vmem>>
        %dma_start3A_93 = tpu.memref_squeeze %dma_start3A_92 : memref<1x128xi32, #tpu.memory_space<vmem>> -> memref<128xi32, #tpu.memory_space<vmem>>
        %dma_start3A_94 = arith.constant 0 : i32
        %dma_start3A_95 = arith.constant 0 : i32
        %dma_start3A_96 = tpu.memref_slice %arg13[%dma_start3A_94, %dma_start3A_95] : memref<10112x64xf32, #tpu.memory_space<vmem_shared>> -> memref<10112x64xf32, #tpu.memory_space<vmem_shared>>
        tpu.enqueue_indirect_dma source(%dma_start3A_96 : memref<10112x64xf32, #tpu.memory_space<vmem_shared>>) target(%arg11 : memref<128x64xf32, #tpu.memory_space<vmem>>) offsets(%dma_start3A_93 : memref<128xi32, #tpu.memory_space<vmem>>) semaphore(%arg15 : memref<!tpu.dma_semaphore, #tpu.memory_space<semaphore_mem>>)
      } else {
      }
      %dma_wait3A_83 = arith.constant 0 : i32
      %dma_wait3A_84 = tpu.memref_slice %arg9[%add3A_77, %dma_wait3A_83] : memref<80x128xi32, #tpu.memory_space<vmem>> -> memref<1x128xi32, #tpu.memory_space<vmem>>
      %dma_wait3A_85 = tpu.memref_squeeze %dma_wait3A_84 : memref<1x128xi32, #tpu.memory_space<vmem>> -> memref<128xi32, #tpu.memory_space<vmem>>
      %dma_wait3A_86 = arith.constant 0 : i32
      %dma_wait3A_87 = arith.constant 0 : i32
      %dma_wait3A_88 = tpu.memref_slice %arg13[%dma_wait3A_86, %dma_wait3A_87] : memref<10112x64xf32, #tpu.memory_space<vmem_shared>> -> memref<10112x64xf32, #tpu.memory_space<vmem_shared>>
      tpu.wait_indirect_dma semaphore(%arg16 : memref<!tpu.dma_semaphore, #tpu.memory_space<semaphore_mem>>) src(%dma_wait3A_88 : memref<10112x64xf32, #tpu.memory_space<vmem_shared>>) dst(%arg12 : memref<128x64xf32, #tpu.memory_space<vmem>>)
      "tpu.region"() ({
        %run_scoped3A = tpu.sem_alloc : memref<!tpu.dma_semaphore, #tpu.memory_space<semaphore_mem>>
        %dma_start3A_89 = arith.constant 0 : i32
        %dma_start3A_90 = tpu.memref_slice %arg10[%add3A_77, %dma_start3A_89] : memref<80x128xi32, #tpu.memory_space<vmem>> -> memref<1x128xi32, #tpu.memory_space<vmem>>
        %dma_start3A_91 = tpu.memref_squeeze %dma_start3A_90 : memref<1x128xi32, #tpu.memory_space<vmem>> -> memref<128xi32, #tpu.memory_space<vmem>>
        %dma_start3A_92 = arith.constant 0 : i32
        %dma_start3A_93 = arith.constant 0 : i32
        %dma_start3A_94 = tpu.memref_slice %arg14[%dma_start3A_92, %dma_start3A_93] : memref<10112x64xf32, #tpu.memory_space<vmem_shared>> -> memref<10112x64xf32, #tpu.memory_space<vmem_shared>>
        tpu.enqueue_indirect_dma source(%arg12 : memref<128x64xf32, #tpu.memory_space<vmem>>) target(%dma_start3A_94 : memref<10112x64xf32, #tpu.memory_space<vmem_shared>>) offsets(%dma_start3A_91 : memref<128xi32, #tpu.memory_space<vmem>>) semaphore(%run_scoped3A : memref<!tpu.dma_semaphore, #tpu.memory_space<semaphore_mem>>) {add = true}
        %dma_wait3A_95 = arith.constant 0 : i32
        %dma_wait3A_96 = tpu.memref_slice %arg10[%add3A_77, %dma_wait3A_95] : memref<80x128xi32, #tpu.memory_space<vmem>> -> memref<1x128xi32, #tpu.memory_space<vmem>>
        %dma_wait3A_97 = tpu.memref_squeeze %dma_wait3A_96 : memref<1x128xi32, #tpu.memory_space<vmem>> -> memref<128xi32, #tpu.memory_space<vmem>>
        %dma_wait3A_98 = arith.constant 0 : i32
        %dma_wait3A_99 = arith.constant 0 : i32
        %dma_wait3A_100 = tpu.memref_slice %arg14[%dma_wait3A_98, %dma_wait3A_99] : memref<10112x64xf32, #tpu.memory_space<vmem_shared>> -> memref<10112x64xf32, #tpu.memory_space<vmem_shared>>
        tpu.wait_indirect_dma semaphore(%run_scoped3A : memref<!tpu.dma_semaphore, #tpu.memory_space<semaphore_mem>>) src(%arg12 : memref<128x64xf32, #tpu.memory_space<vmem>>) dst(%dma_wait3A_100 : memref<10112x64xf32, #tpu.memory_space<vmem_shared>>)
        tpu.yield
      }) : () -> ()
    }
    %scan3A_19 = arith.constant 40 : i32
    %barrier3A_20 = arith.constant 0 : index
    tpu.barrier barrier_id(%barrier3A_20)
    %mul3A_21 = arith.constant 632 : i32
    %mul3A_22 = arith.muli %arg1, %mul3A_21 : i32
    %mul3A_23 = arith.constant 632 : i32
    %mul3A_24 = arith.muli %arg1, %mul3A_23 : i32
    "tpu.region"() ({
      %run_scoped3A = tpu.sem_alloc : memref<!tpu.dma_semaphore, #tpu.memory_space<semaphore_mem>>
      %dma_start3A_58 = arith.constant 0 : i32
      %dma_start3A_59 = tpu.memref_slice %arg7[%arg0, %mul3A_24, %dma_start3A_58] : memref<2x10112x64xf32, #tpu.memory_space<hbm>> -> memref<1x632x64xf32, #tpu.memory_space<hbm>>
      %dma_start3A_60 = tpu.memref_squeeze %dma_start3A_59 : memref<1x632x64xf32, #tpu.memory_space<hbm>> -> memref<632x64xf32, #tpu.memory_space<hbm>>
      %dma_start3A_61 = arith.constant 0 : i32
      %dma_start3A_62 = tpu.memref_slice %arg14[%mul3A_22, %dma_start3A_61] : memref<10112x64xf32, #tpu.memory_space<vmem_shared>> -> memref<632x64xf32, #tpu.memory_space<vmem_shared>>
      tpu.enqueue_dma source(%dma_start3A_62 : memref<632x64xf32, #tpu.memory_space<vmem_shared>>) target(%dma_start3A_60 : memref<632x64xf32, #tpu.memory_space<hbm>>) target_semaphore(%run_scoped3A : memref<!tpu.dma_semaphore, #tpu.memory_space<semaphore_mem>>)
      %dma_wait3A = arith.constant 0 : i32
      %dma_wait3A_63 = tpu.memref_slice %arg7[%arg0, %mul3A_24, %dma_wait3A] : memref<2x10112x64xf32, #tpu.memory_space<hbm>> -> memref<1x632x64xf32, #tpu.memory_space<hbm>>
      %dma_wait3A_64 = tpu.memref_squeeze %dma_wait3A_63 : memref<1x632x64xf32, #tpu.memory_space<hbm>> -> memref<632x64xf32, #tpu.memory_space<hbm>>
      %dma_wait3A_65 = arith.constant 0 : i32
      %dma_wait3A_66 = tpu.memref_slice %arg14[%mul3A_22, %dma_wait3A_65] : memref<10112x64xf32, #tpu.memory_space<vmem_shared>> -> memref<632x64xf32, #tpu.memory_space<vmem_shared>>
      tpu.wait_dma2 semaphore(%run_scoped3A : memref<!tpu.dma_semaphore, #tpu.memory_space<semaphore_mem>>) src(%dma_wait3A_66 : memref<632x64xf32, #tpu.memory_space<vmem_shared>>) dst(%dma_wait3A_64 : memref<632x64xf32, #tpu.memory_space<hbm>>)
      tpu.yield
    }) : () -> ()
    %barrier3A_25 = arith.constant 0 : index
    tpu.barrier barrier_id(%barrier3A_25)
    %lt3A_26 = arith.constant 15 : i32
    %lt3A_27 = arith.cmpi slt, %arg1, %lt3A_26 : i32
    %convert_element_type3A_28 = arith.extui %lt3A_27 : i1 to i32
    %cond3A_29 = arith.constant 0 : i32
    %cond3A_30 = arith.cmpi ne, %convert_element_type3A_28, %cond3A_29 : i32
    scf.if %cond3A_30 {
      %mul3A_58 = arith.constant 632 : i32
      %mul3A_59 = arith.muli %arg1, %mul3A_58 : i32
      %mul3A_60 = arith.constant 632 : i32
      %mul3A_61 = arith.muli %arg1, %mul3A_60 : i32
      "tpu.region"() ({
        %run_scoped3A = tpu.sem_alloc : memref<!tpu.dma_semaphore, #tpu.memory_space<semaphore_mem>>
        %dma_start3A_62 = arith.constant 0 : i32
        %dma_start3A_63 = tpu.memref_slice %arg13[%mul3A_61, %dma_start3A_62] : memref<10112x64xf32, #tpu.memory_space<vmem_shared>> -> memref<632x64xf32, #tpu.memory_space<vmem_shared>>
        %dma_start3A_64 = arith.constant 0 : i32
        %dma_start3A_65 = tpu.memref_slice %arg3[%mul3A_59, %dma_start3A_64] : memref<10000x64xf32, #tpu.memory_space<hbm>> -> memref<632x64xf32, #tpu.memory_space<hbm>>
        tpu.enqueue_dma source(%dma_start3A_65 : memref<632x64xf32, #tpu.memory_space<hbm>>) target(%dma_start3A_63 : memref<632x64xf32, #tpu.memory_space<vmem_shared>>) target_semaphore(%run_scoped3A : memref<!tpu.dma_semaphore, #tpu.memory_space<semaphore_mem>>)
        %dma_wait3A = arith.constant 0 : i32
        %dma_wait3A_66 = tpu.memref_slice %arg13[%mul3A_61, %dma_wait3A] : memref<10112x64xf32, #tpu.memory_space<vmem_shared>> -> memref<632x64xf32, #tpu.memory_space<vmem_shared>>
        %dma_wait3A_67 = arith.constant 0 : i32
        %dma_wait3A_68 = tpu.memref_slice %arg3[%mul3A_59, %dma_wait3A_67] : memref<10000x64xf32, #tpu.memory_space<hbm>> -> memref<632x64xf32, #tpu.memory_space<hbm>>
        tpu.wait_dma2 semaphore(%run_scoped3A : memref<!tpu.dma_semaphore, #tpu.memory_space<semaphore_mem>>) src(%dma_wait3A_68 : memref<632x64xf32, #tpu.memory_space<hbm>>) dst(%dma_wait3A_66 : memref<632x64xf32, #tpu.memory_space<vmem_shared>>)
        tpu.yield
      }) : () -> ()
    } else {
    }
    %eq3A_31 = arith.constant 15 : i32
    %eq3A_32 = arith.cmpi eq, %arg1, %eq3A_31 : i32
    %convert_element_type3A_33 = arith.extui %eq3A_32 : i1 to i32
    %cond3A_34 = arith.constant 0 : i32
    %cond3A_35 = arith.cmpi ne, %convert_element_type3A_33, %cond3A_34 : i32
    scf.if %cond3A_35 {
      "tpu.region"() ({
        %run_scoped3A = tpu.sem_alloc : memref<!tpu.dma_semaphore, #tpu.memory_space<semaphore_mem>>
        %dma_start3A_58 = arith.constant 9480 : i32
        %dma_start3A_59 = arith.constant 0 : i32
        %dma_start3A_60 = tpu.memref_slice %arg13[%dma_start3A_58, %dma_start3A_59] : memref<10112x64xf32, #tpu.memory_space<vmem_shared>> -> memref<520x64xf32, #tpu.memory_space<vmem_shared>>
        %dma_start3A_61 = arith.constant 9480 : i32
        %dma_start3A_62 = arith.constant 0 : i32
        %dma_start3A_63 = tpu.memref_slice %arg3[%dma_start3A_61, %dma_start3A_62] : memref<10000x64xf32, #tpu.memory_space<hbm>> -> memref<520x64xf32, #tpu.memory_space<hbm>>
        tpu.enqueue_dma source(%dma_start3A_63 : memref<520x64xf32, #tpu.memory_space<hbm>>) target(%dma_start3A_60 : memref<520x64xf32, #tpu.memory_space<vmem_shared>>) target_semaphore(%run_scoped3A : memref<!tpu.dma_semaphore, #tpu.memory_space<semaphore_mem>>)
        %dma_wait3A = arith.constant 9480 : i32
        %dma_wait3A_64 = arith.constant 0 : i32
        %dma_wait3A_65 = tpu.memref_slice %arg13[%dma_wait3A, %dma_wait3A_64] : memref<10112x64xf32, #tpu.memory_space<vmem_shared>> -> memref<520x64xf32, #tpu.memory_space<vmem_shared>>
        %dma_wait3A_66 = arith.constant 9480 : i32
        %dma_wait3A_67 = arith.constant 0 : i32
        %dma_wait3A_68 = tpu.memref_slice %arg3[%dma_wait3A_66, %dma_wait3A_67] : memref<10000x64xf32, #tpu.memory_space<hbm>> -> memref<520x64xf32, #tpu.memory_space<hbm>>
        tpu.wait_dma2 semaphore(%run_scoped3A : memref<!tpu.dma_semaphore, #tpu.memory_space<semaphore_mem>>) src(%dma_wait3A_68 : memref<520x64xf32, #tpu.memory_space<hbm>>) dst(%dma_wait3A_65 : memref<520x64xf32, #tpu.memory_space<vmem_shared>>)
        tpu.yield
      }) : () -> ()
    } else {
    }
    %mul3A_36 = arith.constant 632 : i32
    %mul3A_37 = arith.muli %arg1, %mul3A_36 : i32
    "tpu.region"() ({
      %run_scoped3A = tpu.sem_alloc : memref<!tpu.dma_semaphore, #tpu.memory_space<semaphore_mem>>
      %dma_start3A_58 = arith.constant 0 : i32
      %dma_start3A_59 = tpu.memref_slice %arg14[%mul3A_37, %dma_start3A_58] : memref<10112x64xf32, #tpu.memory_space<vmem_shared>> -> memref<632x64xf32, #tpu.memory_space<vmem_shared>>
      tpu.enqueue_dma source(%arg6 : memref<632x64xf32, #tpu.memory_space<hbm>>) target(%dma_start3A_59 : memref<632x64xf32, #tpu.memory_space<vmem_shared>>) target_semaphore(%run_scoped3A : memref<!tpu.dma_semaphore, #tpu.memory_space<semaphore_mem>>)
      %dma_wait3A = arith.constant 0 : i32
      %dma_wait3A_60 = tpu.memref_slice %arg14[%mul3A_37, %dma_wait3A] : memref<10112x64xf32, #tpu.memory_space<vmem_shared>> -> memref<632x64xf32, #tpu.memory_space<vmem_shared>>
      tpu.wait_dma2 semaphore(%run_scoped3A : memref<!tpu.dma_semaphore, #tpu.memory_space<semaphore_mem>>) src(%arg6 : memref<632x64xf32, #tpu.memory_space<hbm>>) dst(%dma_wait3A_60 : memref<632x64xf32, #tpu.memory_space<vmem_shared>>)
      tpu.yield
    }) : () -> ()
    %barrier3A_38 = arith.constant 0 : index
    tpu.barrier barrier_id(%barrier3A_38)
    %dma_start3A_39 = arith.constant 0 : i32
    %dma_start3A_40 = arith.constant 0 : i32
    %dma_start3A_41 = tpu.memref_slice %arg9[%dma_start3A_39, %dma_start3A_40] : memref<80x128xi32, #tpu.memory_space<vmem>> -> memref<1x128xi32, #tpu.memory_space<vmem>>
    %dma_start3A_42 = tpu.memref_squeeze %dma_start3A_41 : memref<1x128xi32, #tpu.memory_space<vmem>> -> memref<128xi32, #tpu.memory_space<vmem>>
    %dma_start3A_43 = arith.constant 0 : i32
    %dma_start3A_44 = arith.constant 0 : i32
    %dma_start3A_45 = tpu.memref_slice %arg13[%dma_start3A_43, %dma_start3A_44] : memref<10112x64xf32, #tpu.memory_space<vmem_shared>> -> memref<10112x64xf32, #tpu.memory_space<vmem_shared>>
    tpu.enqueue_indirect_dma source(%dma_start3A_45 : memref<10112x64xf32, #tpu.memory_space<vmem_shared>>) target(%arg11 : memref<128x64xf32, #tpu.memory_space<vmem>>) offsets(%dma_start3A_42 : memref<128xi32, #tpu.memory_space<vmem>>) semaphore(%arg15 : memref<!tpu.dma_semaphore, #tpu.memory_space<semaphore_mem>>)
    %scan3A_46 = arith.constant 0 : i32
    %scan3A_47 = arith.constant 0 : i32
    %scan3A_48 = arith.constant 40 : i32
    %scan3A_49 = arith.addi %scan3A_47, %scan3A_48 : i32
    %scan3A_50 = arith.constant 1 : i32
    scf.for %scan3A_58 = %scan3A_47 to %scan3A_49 step %scan3A_50  : i32 {
      %mul3A_59 = arith.constant 2 : i32
      %mul3A_60 = arith.muli %mul3A_59, %scan3A_58 : i32
      %add3A_61 = arith.constant 0 : i32
      %add3A_62 = arith.addi %mul3A_60, %add3A_61 : i32
      %add3A_63 = arith.constant 1 : i32
      %add3A_64 = arith.addi %mul3A_60, %add3A_63 : i32
      %dma_start3A_65 = arith.constant 0 : i32
      %dma_start3A_66 = tpu.memref_slice %arg9[%add3A_64, %dma_start3A_65] : memref<80x128xi32, #tpu.memory_space<vmem>> -> memref<1x128xi32, #tpu.memory_space<vmem>>
      %dma_start3A_67 = tpu.memref_squeeze %dma_start3A_66 : memref<1x128xi32, #tpu.memory_space<vmem>> -> memref<128xi32, #tpu.memory_space<vmem>>
      %dma_start3A_68 = arith.constant 0 : i32
      %dma_start3A_69 = arith.constant 0 : i32
      %dma_start3A_70 = tpu.memref_slice %arg13[%dma_start3A_68, %dma_start3A_69] : memref<10112x64xf32, #tpu.memory_space<vmem_shared>> -> memref<10112x64xf32, #tpu.memory_space<vmem_shared>>
      tpu.enqueue_indirect_dma source(%dma_start3A_70 : memref<10112x64xf32, #tpu.memory_space<vmem_shared>>) target(%arg12 : memref<128x64xf32, #tpu.memory_space<vmem>>) offsets(%dma_start3A_67 : memref<128xi32, #tpu.memory_space<vmem>>) semaphore(%arg16 : memref<!tpu.dma_semaphore, #tpu.memory_space<semaphore_mem>>)
      %dma_wait3A = arith.constant 0 : i32
      %dma_wait3A_71 = tpu.memref_slice %arg9[%add3A_62, %dma_wait3A] : memref<80x128xi32, #tpu.memory_space<vmem>> -> memref<1x128xi32, #tpu.memory_space<vmem>>
      %dma_wait3A_72 = tpu.memref_squeeze %dma_wait3A_71 : memref<1x128xi32, #tpu.memory_space<vmem>> -> memref<128xi32, #tpu.memory_space<vmem>>
      %dma_wait3A_73 = arith.constant 0 : i32
      %dma_wait3A_74 = arith.constant 0 : i32
      %dma_wait3A_75 = tpu.memref_slice %arg13[%dma_wait3A_73, %dma_wait3A_74] : memref<10112x64xf32, #tpu.memory_space<vmem_shared>> -> memref<10112x64xf32, #tpu.memory_space<vmem_shared>>
      tpu.wait_indirect_dma semaphore(%arg15 : memref<!tpu.dma_semaphore, #tpu.memory_space<semaphore_mem>>) src(%dma_wait3A_75 : memref<10112x64xf32, #tpu.memory_space<vmem_shared>>) dst(%arg11 : memref<128x64xf32, #tpu.memory_space<vmem>>)
      "tpu.region"() ({
        %run_scoped3A = tpu.sem_alloc : memref<!tpu.dma_semaphore, #tpu.memory_space<semaphore_mem>>
        %dma_start3A_89 = arith.constant 0 : i32
        %dma_start3A_90 = tpu.memref_slice %arg10[%add3A_62, %dma_start3A_89] : memref<80x128xi32, #tpu.memory_space<vmem>> -> memref<1x128xi32, #tpu.memory_space<vmem>>
        %dma_start3A_91 = tpu.memref_squeeze %dma_start3A_90 : memref<1x128xi32, #tpu.memory_space<vmem>> -> memref<128xi32, #tpu.memory_space<vmem>>
        %dma_start3A_92 = arith.constant 0 : i32
        %dma_start3A_93 = arith.constant 0 : i32
        %dma_start3A_94 = tpu.memref_slice %arg14[%dma_start3A_92, %dma_start3A_93] : memref<10112x64xf32, #tpu.memory_space<vmem_shared>> -> memref<10112x64xf32, #tpu.memory_space<vmem_shared>>
        tpu.enqueue_indirect_dma source(%arg11 : memref<128x64xf32, #tpu.memory_space<vmem>>) target(%dma_start3A_94 : memref<10112x64xf32, #tpu.memory_space<vmem_shared>>) offsets(%dma_start3A_91 : memref<128xi32, #tpu.memory_space<vmem>>) semaphore(%run_scoped3A : memref<!tpu.dma_semaphore, #tpu.memory_space<semaphore_mem>>) {add = true}
        %dma_wait3A_95 = arith.constant 0 : i32
        %dma_wait3A_96 = tpu.memref_slice %arg10[%add3A_62, %dma_wait3A_95] : memref<80x128xi32, #tpu.memory_space<vmem>> -> memref<1x128xi32, #tpu.memory_space<vmem>>
        %dma_wait3A_97 = tpu.memref_squeeze %dma_wait3A_96 : memref<1x128xi32, #tpu.memory_space<vmem>> -> memref<128xi32, #tpu.memory_space<vmem>>
        %dma_wait3A_98 = arith.constant 0 : i32
        %dma_wait3A_99 = arith.constant 0 : i32
        %dma_wait3A_100 = tpu.memref_slice %arg14[%dma_wait3A_98, %dma_wait3A_99] : memref<10112x64xf32, #tpu.memory_space<vmem_shared>> -> memref<10112x64xf32, #tpu.memory_space<vmem_shared>>
        tpu.wait_indirect_dma semaphore(%run_scoped3A : memref<!tpu.dma_semaphore, #tpu.memory_space<semaphore_mem>>) src(%arg11 : memref<128x64xf32, #tpu.memory_space<vmem>>) dst(%dma_wait3A_100 : memref<10112x64xf32, #tpu.memory_space<vmem_shared>>)
        tpu.yield
      }) : () -> ()
      %add3A_76 = arith.constant 1 : i32
      %add3A_77 = arith.addi %mul3A_60, %add3A_76 : i32
      %lt3A_78 = arith.constant 39 : i32
      %lt3A_79 = arith.cmpi slt, %scan3A_58, %lt3A_78 : i32
      %convert_element_type3A_80 = arith.extui %lt3A_79 : i1 to i32
      %cond3A_81 = arith.constant 0 : i32
      %cond3A_82 = arith.cmpi ne, %convert_element_type3A_80, %cond3A_81 : i32
      scf.if %cond3A_82 {
        %add3A_89 = arith.constant 2 : i32
        %add3A_90 = arith.addi %mul3A_60, %add3A_89 : i32
        %dma_start3A_91 = arith.constant 0 : i32
        %dma_start3A_92 = tpu.memref_slice %arg9[%add3A_90, %dma_start3A_91] : memref<80x128xi32, #tpu.memory_space<vmem>> -> memref<1x128xi32, #tpu.memory_space<vmem>>
        %dma_start3A_93 = tpu.memref_squeeze %dma_start3A_92 : memref<1x128xi32, #tpu.memory_space<vmem>> -> memref<128xi32, #tpu.memory_space<vmem>>
        %dma_start3A_94 = arith.constant 0 : i32
        %dma_start3A_95 = arith.constant 0 : i32
        %dma_start3A_96 = tpu.memref_slice %arg13[%dma_start3A_94, %dma_start3A_95] : memref<10112x64xf32, #tpu.memory_space<vmem_shared>> -> memref<10112x64xf32, #tpu.memory_space<vmem_shared>>
        tpu.enqueue_indirect_dma source(%dma_start3A_96 : memref<10112x64xf32, #tpu.memory_space<vmem_shared>>) target(%arg11 : memref<128x64xf32, #tpu.memory_space<vmem>>) offsets(%dma_start3A_93 : memref<128xi32, #tpu.memory_space<vmem>>) semaphore(%arg15 : memref<!tpu.dma_semaphore, #tpu.memory_space<semaphore_mem>>)
      } else {
      }
      %dma_wait3A_83 = arith.constant 0 : i32
      %dma_wait3A_84 = tpu.memref_slice %arg9[%add3A_77, %dma_wait3A_83] : memref<80x128xi32, #tpu.memory_space<vmem>> -> memref<1x128xi32, #tpu.memory_space<vmem>>
      %dma_wait3A_85 = tpu.memref_squeeze %dma_wait3A_84 : memref<1x128xi32, #tpu.memory_space<vmem>> -> memref<128xi32, #tpu.memory_space<vmem>>
      %dma_wait3A_86 = arith.constant 0 : i32
      %dma_wait3A_87 = arith.constant 0 : i32
      %dma_wait3A_88 = tpu.memref_slice %arg13[%dma_wait3A_86, %dma_wait3A_87] : memref<10112x64xf32, #tpu.memory_space<vmem_shared>> -> memref<10112x64xf32, #tpu.memory_space<vmem_shared>>
      tpu.wait_indirect_dma semaphore(%arg16 : memref<!tpu.dma_semaphore, #tpu.memory_space<semaphore_mem>>) src(%dma_wait3A_88 : memref<10112x64xf32, #tpu.memory_space<vmem_shared>>) dst(%arg12 : memref<128x64xf32, #tpu.memory_space<vmem>>)
      "tpu.region"() ({
        %run_scoped3A = tpu.sem_alloc : memref<!tpu.dma_semaphore, #tpu.memory_space<semaphore_mem>>
        %dma_start3A_89 = arith.constant 0 : i32
        %dma_start3A_90 = tpu.memref_slice %arg10[%add3A_77, %dma_start3A_89] : memref<80x128xi32, #tpu.memory_space<vmem>> -> memref<1x128xi32, #tpu.memory_space<vmem>>
        %dma_start3A_91 = tpu.memref_squeeze %dma_start3A_90 : memref<1x128xi32, #tpu.memory_space<vmem>> -> memref<128xi32, #tpu.memory_space<vmem>>
        %dma_start3A_92 = arith.constant 0 : i32
        %dma_start3A_93 = arith.constant 0 : i32
        %dma_start3A_94 = tpu.memref_slice %arg14[%dma_start3A_92, %dma_start3A_93] : memref<10112x64xf32, #tpu.memory_space<vmem_shared>> -> memref<10112x64xf32, #tpu.memory_space<vmem_shared>>
        tpu.enqueue_indirect_dma source(%arg12 : memref<128x64xf32, #tpu.memory_space<vmem>>) target(%dma_start3A_94 : memref<10112x64xf32, #tpu.memory_space<vmem_shared>>) offsets(%dma_start3A_91 : memref<128xi32, #tpu.memory_space<vmem>>) semaphore(%run_scoped3A : memref<!tpu.dma_semaphore, #tpu.memory_space<semaphore_mem>>) {add = true}
        %dma_wait3A_95 = arith.constant 0 : i32
        %dma_wait3A_96 = tpu.memref_slice %arg10[%add3A_77, %dma_wait3A_95] : memref<80x128xi32, #tpu.memory_space<vmem>> -> memref<1x128xi32, #tpu.memory_space<vmem>>
        %dma_wait3A_97 = tpu.memref_squeeze %dma_wait3A_96 : memref<1x128xi32, #tpu.memory_space<vmem>> -> memref<128xi32, #tpu.memory_space<vmem>>
        %dma_wait3A_98 = arith.constant 0 : i32
        %dma_wait3A_99 = arith.constant 0 : i32
        %dma_wait3A_100 = tpu.memref_slice %arg14[%dma_wait3A_98, %dma_wait3A_99] : memref<10112x64xf32, #tpu.memory_space<vmem_shared>> -> memref<10112x64xf32, #tpu.memory_space<vmem_shared>>
        tpu.wait_indirect_dma semaphore(%run_scoped3A : memref<!tpu.dma_semaphore, #tpu.memory_space<semaphore_mem>>) src(%arg12 : memref<128x64xf32, #tpu.memory_space<vmem>>) dst(%dma_wait3A_100 : memref<10112x64xf32, #tpu.memory_space<vmem_shared>>)
        tpu.yield
      }) : () -> ()
    }
    %scan3A_51 = arith.constant 40 : i32
    %barrier3A_52 = arith.constant 0 : index
    tpu.barrier barrier_id(%barrier3A_52)
    %mul3A_53 = arith.constant 632 : i32
    %mul3A_54 = arith.muli %arg1, %mul3A_53 : i32
    %mul3A_55 = arith.constant 632 : i32
    %mul3A_56 = arith.muli %arg1, %mul3A_55 : i32
    "tpu.region"() ({
      %run_scoped3A = tpu.sem_alloc : memref<!tpu.dma_semaphore, #tpu.memory_space<semaphore_mem>>
      %dma_start3A_58 = arith.constant 0 : i32
      %dma_start3A_59 = tpu.memref_slice %arg8[%arg0, %mul3A_56, %dma_start3A_58] : memref<2x10112x64xf32, #tpu.memory_space<hbm>> -> memref<1x632x64xf32, #tpu.memory_space<hbm>>
      %dma_start3A_60 = tpu.memref_squeeze %dma_start3A_59 : memref<1x632x64xf32, #tpu.memory_space<hbm>> -> memref<632x64xf32, #tpu.memory_space<hbm>>
      %dma_start3A_61 = arith.constant 0 : i32
      %dma_start3A_62 = tpu.memref_slice %arg14[%mul3A_54, %dma_start3A_61] : memref<10112x64xf32, #tpu.memory_space<vmem_shared>> -> memref<632x64xf32, #tpu.memory_space<vmem_shared>>
      tpu.enqueue_dma source(%dma_start3A_62 : memref<632x64xf32, #tpu.memory_space<vmem_shared>>) target(%dma_start3A_60 : memref<632x64xf32, #tpu.memory_space<hbm>>) target_semaphore(%run_scoped3A : memref<!tpu.dma_semaphore, #tpu.memory_space<semaphore_mem>>)
      %dma_wait3A = arith.constant 0 : i32
      %dma_wait3A_63 = tpu.memref_slice %arg8[%arg0, %mul3A_56, %dma_wait3A] : memref<2x10112x64xf32, #tpu.memory_space<hbm>> -> memref<1x632x64xf32, #tpu.memory_space<hbm>>
      %dma_wait3A_64 = tpu.memref_squeeze %dma_wait3A_63 : memref<1x632x64xf32, #tpu.memory_space<hbm>> -> memref<632x64xf32, #tpu.memory_space<hbm>>
      %dma_wait3A_65 = arith.constant 0 : i32
      %dma_wait3A_66 = tpu.memref_slice %arg14[%mul3A_54, %dma_wait3A_65] : memref<10112x64xf32, #tpu.memory_space<vmem_shared>> -> memref<632x64xf32, #tpu.memory_space<vmem_shared>>
      tpu.wait_dma2 semaphore(%run_scoped3A : memref<!tpu.dma_semaphore, #tpu.memory_space<semaphore_mem>>) src(%dma_wait3A_66 : memref<632x64xf32, #tpu.memory_space<vmem_shared>>) dst(%dma_wait3A_64 : memref<632x64xf32, #tpu.memory_space<hbm>>)
      tpu.yield
    }) : () -> ()
    %barrier3A_57 = arith.constant 0 : index
    tpu.barrier barrier_id(%barrier3A_57)
    return
  }
}

#map = affine_map<(d0, d1) -> (0, 0, 0)>
#map1 = affine_map<(d0, d1) -> (0, 0)>
module attributes {stable_mosaic.version = 14 : i64} {
  func.func @body(%arg0: i32, %arg1: i32, %arg2: memref<32x80x128xi32, #tpu.memory_space<hbm>>, %arg3: memref<632x16xf32, #tpu.memory_space<hbm>>, %arg4: memref<128x16xf32, #tpu.memory_space<hbm>>, %arg5: memref<2x10112x16xf32, #tpu.memory_space<hbm>>, %arg6: memref<80x128xi32, #tpu.memory_space<vmem>>, %arg7: memref<128x16xf32, #tpu.memory_space<vmem>>, %arg8: memref<10112x16xf32, #tpu.memory_space<vmem_shared>>, %arg9: memref<!tpu.dma_semaphore, #tpu.memory_space<semaphore_mem>>) attributes {dimension_semantics = [#tpu.dimension_semantics<core_parallel>, #tpu.dimension_semantics<subcore_parallel>], iteration_bounds = array<i64: 2, 16>, scalar_prefetch = 0 : i64, scratch_operands = 4 : i64, tpu.core_type = #tpu.core_type<sc_vector_subcore>, window_params = [{transform_indices = #map}, {transform_indices = #map1}, {transform_indices = #map1}, {transform_indices = #map}]} {
    %mul3A = arith.constant 16 : i32
    %mul3A_0 = arith.muli %arg0, %mul3A : i32
    %add3A = arith.addi %mul3A_0, %arg1 : i32
    "tpu.region"() ({
      %run_scoped3A = tpu.sem_alloc : memref<!tpu.dma_semaphore, #tpu.memory_space<semaphore_mem>>
      tpu.enqueue_dma source(%arg4 : memref<128x16xf32, #tpu.memory_space<hbm>>) target(%arg7 : memref<128x16xf32, #tpu.memory_space<vmem>>) target_semaphore(%run_scoped3A : memref<!tpu.dma_semaphore, #tpu.memory_space<semaphore_mem>>)
      tpu.wait_dma2 semaphore(%run_scoped3A : memref<!tpu.dma_semaphore, #tpu.memory_space<semaphore_mem>>) src(%arg4 : memref<128x16xf32, #tpu.memory_space<hbm>>) dst(%arg7 : memref<128x16xf32, #tpu.memory_space<vmem>>)
      tpu.yield
    }) : () -> ()
    "tpu.region"() ({
      %run_scoped3A = tpu.sem_alloc : memref<!tpu.dma_semaphore, #tpu.memory_space<semaphore_mem>>
      %dma_start3A_39 = arith.constant 0 : i32
      %dma_start3A_40 = arith.constant 0 : i32
      %dma_start3A_41 = tpu.memref_slice %arg2[%add3A, %dma_start3A_39, %dma_start3A_40] : memref<32x80x128xi32, #tpu.memory_space<hbm>> -> memref<1x80x128xi32, #tpu.memory_space<hbm>>
      %dma_start3A_42 = tpu.memref_squeeze %dma_start3A_41 : memref<1x80x128xi32, #tpu.memory_space<hbm>> -> memref<80x128xi32, #tpu.memory_space<hbm>>
      %dma_start3A_43 = arith.constant 0 : i32
      %dma_start3A_44 = arith.constant 0 : i32
      %dma_start3A_45 = tpu.memref_slice %arg2[%add3A, %dma_start3A_43, %dma_start3A_44] : memref<32x80x128xi32, #tpu.memory_space<hbm>> -> memref<1x80x128xi32, #tpu.memory_space<hbm>>
      %dma_start3A_46 = tpu.memref_squeeze %dma_start3A_45 : memref<1x80x128xi32, #tpu.memory_space<hbm>> -> memref<80x128xi32, #tpu.memory_space<hbm>>
      tpu.enqueue_dma source(%dma_start3A_46 : memref<80x128xi32, #tpu.memory_space<hbm>>) target(%arg6 : memref<80x128xi32, #tpu.memory_space<vmem>>) target_semaphore(%run_scoped3A : memref<!tpu.dma_semaphore, #tpu.memory_space<semaphore_mem>>)
      %dma_wait3A_47 = arith.constant 0 : i32
      %dma_wait3A_48 = arith.constant 0 : i32
      %dma_wait3A_49 = tpu.memref_slice %arg2[%add3A, %dma_wait3A_47, %dma_wait3A_48] : memref<32x80x128xi32, #tpu.memory_space<hbm>> -> memref<1x80x128xi32, #tpu.memory_space<hbm>>
      %dma_wait3A_50 = tpu.memref_squeeze %dma_wait3A_49 : memref<1x80x128xi32, #tpu.memory_space<hbm>> -> memref<80x128xi32, #tpu.memory_space<hbm>>
      %dma_wait3A_51 = arith.constant 0 : i32
      %dma_wait3A_52 = arith.constant 0 : i32
      %dma_wait3A_53 = tpu.memref_slice %arg2[%add3A, %dma_wait3A_51, %dma_wait3A_52] : memref<32x80x128xi32, #tpu.memory_space<hbm>> -> memref<1x80x128xi32, #tpu.memory_space<hbm>>
      %dma_wait3A_54 = tpu.memref_squeeze %dma_wait3A_53 : memref<1x80x128xi32, #tpu.memory_space<hbm>> -> memref<80x128xi32, #tpu.memory_space<hbm>>
      tpu.wait_dma2 semaphore(%run_scoped3A : memref<!tpu.dma_semaphore, #tpu.memory_space<semaphore_mem>>) src(%dma_wait3A_54 : memref<80x128xi32, #tpu.memory_space<hbm>>) dst(%arg6 : memref<80x128xi32, #tpu.memory_space<vmem>>)
      tpu.yield
    }) : () -> ()
    %mul3A_1 = arith.constant 632 : i32
    %mul3A_2 = arith.muli %arg1, %mul3A_1 : i32
    "tpu.region"() ({
      %run_scoped3A = tpu.sem_alloc : memref<!tpu.dma_semaphore, #tpu.memory_space<semaphore_mem>>
      %dma_start3A_39 = arith.constant 0 : i32
      %dma_start3A_40 = tpu.memref_slice %arg8[%mul3A_2, %dma_start3A_39] : memref<10112x16xf32, #tpu.memory_space<vmem_shared>> -> memref<632x16xf32, #tpu.memory_space<vmem_shared>>
      tpu.enqueue_dma source(%arg3 : memref<632x16xf32, #tpu.memory_space<hbm>>) target(%dma_start3A_40 : memref<632x16xf32, #tpu.memory_space<vmem_shared>>) target_semaphore(%run_scoped3A : memref<!tpu.dma_semaphore, #tpu.memory_space<semaphore_mem>>)
      %dma_wait3A_41 = arith.constant 0 : i32
      %dma_wait3A_42 = tpu.memref_slice %arg8[%mul3A_2, %dma_wait3A_41] : memref<10112x16xf32, #tpu.memory_space<vmem_shared>> -> memref<632x16xf32, #tpu.memory_space<vmem_shared>>
      tpu.wait_dma2 semaphore(%run_scoped3A : memref<!tpu.dma_semaphore, #tpu.memory_space<semaphore_mem>>) src(%arg3 : memref<632x16xf32, #tpu.memory_space<hbm>>) dst(%dma_wait3A_42 : memref<632x16xf32, #tpu.memory_space<vmem_shared>>)
      tpu.yield
    }) : () -> ()
    %barrier3A = arith.constant 0 : index
    tpu.barrier barrier_id(%barrier3A)
    %dma_start3A = arith.constant 0 : i32
    %dma_start3A_3 = arith.constant 0 : i32
    %dma_start3A_4 = tpu.memref_slice %arg6[%dma_start3A, %dma_start3A_3] : memref<80x128xi32, #tpu.memory_space<vmem>> -> memref<1x128xi32, #tpu.memory_space<vmem>>
    %dma_start3A_5 = tpu.memref_squeeze %dma_start3A_4 : memref<1x128xi32, #tpu.memory_space<vmem>> -> memref<128xi32, #tpu.memory_space<vmem>>
    %dma_start3A_6 = arith.constant 0 : i32
    %dma_start3A_7 = arith.constant 0 : i32
    %dma_start3A_8 = tpu.memref_slice %arg8[%dma_start3A_6, %dma_start3A_7] : memref<10112x16xf32, #tpu.memory_space<vmem_shared>> -> memref<10112x16xf32, #tpu.memory_space<vmem_shared>>
    tpu.enqueue_indirect_dma source(%arg7 : memref<128x16xf32, #tpu.memory_space<vmem>>) target(%dma_start3A_8 : memref<10112x16xf32, #tpu.memory_space<vmem_shared>>) offsets(%dma_start3A_5 : memref<128xi32, #tpu.memory_space<vmem>>) semaphore(%arg9 : memref<!tpu.dma_semaphore, #tpu.memory_space<semaphore_mem>>) {add = true}
    %dma_start3A_9 = arith.constant 1 : i32
    %dma_start3A_10 = arith.constant 0 : i32
    %dma_start3A_11 = tpu.memref_slice %arg6[%dma_start3A_9, %dma_start3A_10] : memref<80x128xi32, #tpu.memory_space<vmem>> -> memref<1x128xi32, #tpu.memory_space<vmem>>
    %dma_start3A_12 = tpu.memref_squeeze %dma_start3A_11 : memref<1x128xi32, #tpu.memory_space<vmem>> -> memref<128xi32, #tpu.memory_space<vmem>>
    %dma_start3A_13 = arith.constant 0 : i32
    %dma_start3A_14 = arith.constant 0 : i32
    %dma_start3A_15 = tpu.memref_slice %arg8[%dma_start3A_13, %dma_start3A_14] : memref<10112x16xf32, #tpu.memory_space<vmem_shared>> -> memref<10112x16xf32, #tpu.memory_space<vmem_shared>>
    tpu.enqueue_indirect_dma source(%arg7 : memref<128x16xf32, #tpu.memory_space<vmem>>) target(%dma_start3A_15 : memref<10112x16xf32, #tpu.memory_space<vmem_shared>>) offsets(%dma_start3A_12 : memref<128xi32, #tpu.memory_space<vmem>>) semaphore(%arg9 : memref<!tpu.dma_semaphore, #tpu.memory_space<semaphore_mem>>) {add = true}
    %scan3A = arith.constant 0 : i32
    %scan3A_16 = arith.constant 2 : i32
    %scan3A_17 = arith.constant 78 : i32
    %scan3A_18 = arith.addi %scan3A_16, %scan3A_17 : i32
    %scan3A_19 = arith.constant 1 : i32
    scf.for %scan3A_39 = %scan3A_16 to %scan3A_18 step %scan3A_19  : i32 {
      %dma_wait3A_40 = arith.constant 0 : i32
      %dma_wait3A_41 = arith.constant 0 : i32
      %dma_wait3A_42 = tpu.memref_slice %arg6[%dma_wait3A_40, %dma_wait3A_41] : memref<80x128xi32, #tpu.memory_space<vmem>> -> memref<1x128xi32, #tpu.memory_space<vmem>>
      %dma_wait3A_43 = tpu.memref_squeeze %dma_wait3A_42 : memref<1x128xi32, #tpu.memory_space<vmem>> -> memref<128xi32, #tpu.memory_space<vmem>>
      %dma_wait3A_44 = arith.constant 0 : i32
      %dma_wait3A_45 = arith.constant 0 : i32
      %dma_wait3A_46 = tpu.memref_slice %arg8[%dma_wait3A_44, %dma_wait3A_45] : memref<10112x16xf32, #tpu.memory_space<vmem_shared>> -> memref<10112x16xf32, #tpu.memory_space<vmem_shared>>
      tpu.wait_indirect_dma semaphore(%arg9 : memref<!tpu.dma_semaphore, #tpu.memory_space<semaphore_mem>>) src(%arg7 : memref<128x16xf32, #tpu.memory_space<vmem>>) dst(%dma_wait3A_46 : memref<10112x16xf32, #tpu.memory_space<vmem_shared>>)
      %dma_start3A_47 = arith.constant 0 : i32
      %dma_start3A_48 = tpu.memref_slice %arg6[%scan3A_39, %dma_start3A_47] : memref<80x128xi32, #tpu.memory_space<vmem>> -> memref<1x128xi32, #tpu.memory_space<vmem>>
      %dma_start3A_49 = tpu.memref_squeeze %dma_start3A_48 : memref<1x128xi32, #tpu.memory_space<vmem>> -> memref<128xi32, #tpu.memory_space<vmem>>
      %dma_start3A_50 = arith.constant 0 : i32
      %dma_start3A_51 = arith.constant 0 : i32
      %dma_start3A_52 = tpu.memref_slice %arg8[%dma_start3A_50, %dma_start3A_51] : memref<10112x16xf32, #tpu.memory_space<vmem_shared>> -> memref<10112x16xf32, #tpu.memory_space<vmem_shared>>
      tpu.enqueue_indirect_dma source(%arg7 : memref<128x16xf32, #tpu.memory_space<vmem>>) target(%dma_start3A_52 : memref<10112x16xf32, #tpu.memory_space<vmem_shared>>) offsets(%dma_start3A_49 : memref<128xi32, #tpu.memory_space<vmem>>) semaphore(%arg9 : memref<!tpu.dma_semaphore, #tpu.memory_space<semaphore_mem>>) {add = true}
    }
    %scan3A_20 = arith.constant 78 : i32
    %dma_wait3A = arith.constant 0 : i32
    %dma_wait3A_21 = arith.constant 0 : i32
    %dma_wait3A_22 = tpu.memref_slice %arg6[%dma_wait3A, %dma_wait3A_21] : memref<80x128xi32, #tpu.memory_space<vmem>> -> memref<1x128xi32, #tpu.memory_space<vmem>>
    %dma_wait3A_23 = tpu.memref_squeeze %dma_wait3A_22 : memref<1x128xi32, #tpu.memory_space<vmem>> -> memref<128xi32, #tpu.memory_space<vmem>>
    %dma_wait3A_24 = arith.constant 0 : i32
    %dma_wait3A_25 = arith.constant 0 : i32
    %dma_wait3A_26 = tpu.memref_slice %arg8[%dma_wait3A_24, %dma_wait3A_25] : memref<10112x16xf32, #tpu.memory_space<vmem_shared>> -> memref<10112x16xf32, #tpu.memory_space<vmem_shared>>
    tpu.wait_indirect_dma semaphore(%arg9 : memref<!tpu.dma_semaphore, #tpu.memory_space<semaphore_mem>>) src(%arg7 : memref<128x16xf32, #tpu.memory_space<vmem>>) dst(%dma_wait3A_26 : memref<10112x16xf32, #tpu.memory_space<vmem_shared>>)
    %dma_wait3A_27 = arith.constant 0 : i32
    %dma_wait3A_28 = arith.constant 0 : i32
    %dma_wait3A_29 = tpu.memref_slice %arg6[%dma_wait3A_27, %dma_wait3A_28] : memref<80x128xi32, #tpu.memory_space<vmem>> -> memref<1x128xi32, #tpu.memory_space<vmem>>
    %dma_wait3A_30 = tpu.memref_squeeze %dma_wait3A_29 : memref<1x128xi32, #tpu.memory_space<vmem>> -> memref<128xi32, #tpu.memory_space<vmem>>
    %dma_wait3A_31 = arith.constant 0 : i32
    %dma_wait3A_32 = arith.constant 0 : i32
    %dma_wait3A_33 = tpu.memref_slice %arg8[%dma_wait3A_31, %dma_wait3A_32] : memref<10112x16xf32, #tpu.memory_space<vmem_shared>> -> memref<10112x16xf32, #tpu.memory_space<vmem_shared>>
    tpu.wait_indirect_dma semaphore(%arg9 : memref<!tpu.dma_semaphore, #tpu.memory_space<semaphore_mem>>) src(%arg7 : memref<128x16xf32, #tpu.memory_space<vmem>>) dst(%dma_wait3A_33 : memref<10112x16xf32, #tpu.memory_space<vmem_shared>>)
    %barrier3A_34 = arith.constant 0 : index
    tpu.barrier barrier_id(%barrier3A_34)
    %mul3A_35 = arith.constant 632 : i32
    %mul3A_36 = arith.muli %arg1, %mul3A_35 : i32
    %mul3A_37 = arith.constant 632 : i32
    %mul3A_38 = arith.muli %arg1, %mul3A_37 : i32
    "tpu.region"() ({
      %run_scoped3A = tpu.sem_alloc : memref<!tpu.dma_semaphore, #tpu.memory_space<semaphore_mem>>
      %dma_start3A_39 = arith.constant 0 : i32
      %dma_start3A_40 = tpu.memref_slice %arg5[%arg0, %mul3A_38, %dma_start3A_39] : memref<2x10112x16xf32, #tpu.memory_space<hbm>> -> memref<1x632x16xf32, #tpu.memory_space<hbm>>
      %dma_start3A_41 = tpu.memref_squeeze %dma_start3A_40 : memref<1x632x16xf32, #tpu.memory_space<hbm>> -> memref<632x16xf32, #tpu.memory_space<hbm>>
      %dma_start3A_42 = arith.constant 0 : i32
      %dma_start3A_43 = tpu.memref_slice %arg8[%mul3A_36, %dma_start3A_42] : memref<10112x16xf32, #tpu.memory_space<vmem_shared>> -> memref<632x16xf32, #tpu.memory_space<vmem_shared>>
      tpu.enqueue_dma source(%dma_start3A_43 : memref<632x16xf32, #tpu.memory_space<vmem_shared>>) target(%dma_start3A_41 : memref<632x16xf32, #tpu.memory_space<hbm>>) target_semaphore(%run_scoped3A : memref<!tpu.dma_semaphore, #tpu.memory_space<semaphore_mem>>)
      %dma_wait3A_44 = arith.constant 0 : i32
      %dma_wait3A_45 = tpu.memref_slice %arg5[%arg0, %mul3A_38, %dma_wait3A_44] : memref<2x10112x16xf32, #tpu.memory_space<hbm>> -> memref<1x632x16xf32, #tpu.memory_space<hbm>>
      %dma_wait3A_46 = tpu.memref_squeeze %dma_wait3A_45 : memref<1x632x16xf32, #tpu.memory_space<hbm>> -> memref<632x16xf32, #tpu.memory_space<hbm>>
      %dma_wait3A_47 = arith.constant 0 : i32
      %dma_wait3A_48 = tpu.memref_slice %arg8[%mul3A_36, %dma_wait3A_47] : memref<10112x16xf32, #tpu.memory_space<vmem_shared>> -> memref<632x16xf32, #tpu.memory_space<vmem_shared>>
      tpu.wait_dma2 semaphore(%run_scoped3A : memref<!tpu.dma_semaphore, #tpu.memory_space<semaphore_mem>>) src(%dma_wait3A_48 : memref<632x16xf32, #tpu.memory_space<vmem_shared>>) dst(%dma_wait3A_46 : memref<632x16xf32, #tpu.memory_space<hbm>>)
      tpu.yield
    }) : () -> ()
    return
  }
}

module attributes {stable_mosaic.version = 14 : i64} {
  func.func @_mm2_body(%arg0: i32, %arg1: memref<1000x128xf32, #tpu.memory_space<vmem>>, %arg2: memref<128x128xf32, #tpu.memory_space<vmem>>, %arg3: memref<128x128xf32, #tpu.memory_space<vmem>>, %arg4: memref<1x128xf32, #tpu.memory_space<vmem>>, %arg5: memref<1000x64xf32, #tpu.memory_space<vmem>>, %arg6: memref<1000x64xf32, #tpu.memory_space<vmem>>, %arg7: memref<1000x128xf32, #tpu.memory_space<vmem>>) attributes {dimension_semantics = [#tpu.dimension_semantics<arbitrary>], iteration_bounds = array<i64: 10>, scalar_prefetch = 0 : i64, scratch_operands = 0 : i64, tpu.core_type = #tpu.core_type<tc>, window_params = [{transform_indices = @transform_0, window_bounds = array<i64: 1000, 128>}, {pipeline_mode = #tpu.pipeline_mode<synchronous>, transform_indices = @transform_1, window_bounds = array<i64: 128, 128>}, {pipeline_mode = #tpu.pipeline_mode<synchronous>, transform_indices = @transform_2, window_bounds = array<i64: 128, 128>}, {pipeline_mode = #tpu.pipeline_mode<synchronous>, transform_indices = @transform_3, window_bounds = array<i64: 1, 128>}, {transform_indices = @transform_4, window_bounds = array<i64: 1000, 64>}, {transform_indices = @transform_5, window_bounds = array<i64: 1000, 64>}, {transform_indices = @transform_6, window_bounds = array<i64: 1000, 128>}]} {
    %get3A = arith.constant 0 : index
    %get3A_0 = arith.constant 0 : index
    %get3A_1 = vector.load %arg1[%get3A, %get3A_0] : memref<1000x128xf32, #tpu.memory_space<vmem>>, vector<1000x128xf32>
    %get3A_2 = arith.constant 0 : index
    %get3A_3 = arith.constant 0 : index
    %get3A_4 = vector.load %arg2[%get3A_2, %get3A_3] : memref<128x128xf32, #tpu.memory_space<vmem>>, vector<128x128xf32>
    %dot_general3A = arith.constant dense<0.000000e+00> : vector<1000x128xf32>
    %dot_general3A_5 = tpu.matmul %get3A_1, %get3A_4, %dot_general3A {dimension_numbers = #tpu.dot_dimension_numbers<[1], [0], [0], [1], [0, 0, 1, 1], [], []>, transpose_lhs_hint = false} : vector<1000x128xf32>, vector<128x128xf32>, vector<1000x128xf32> -> vector<1000x128xf32>
    %slice3A = vector.extract_strided_slice %dot_general3A_5 {offsets = [0, 0], sizes = [1000, 64], strides = [1, 1]} : vector<1000x128xf32> to vector<1000x64xf32>
    %swap3A = arith.constant 0 : index
    %swap3A_6 = arith.constant 0 : index
    %swap3A_7 = vector.load %arg5[%swap3A, %swap3A_6] : memref<1000x64xf32, #tpu.memory_space<vmem>>, vector<1000x64xf32>
    tpu.vector_store %arg5[%swap3A, %swap3A_6], %slice3A {strides = array<i32>} : memref<1000x64xf32, #tpu.memory_space<vmem>>, vector<1000x64xf32>,
    %slice3A_8 = vector.extract_strided_slice %dot_general3A_5 {offsets = [0, 64], sizes = [1000, 64], strides = [1, 1]} : vector<1000x128xf32> to vector<1000x64xf32>
    %swap3A_9 = arith.constant 0 : index
    %swap3A_10 = arith.constant 0 : index
    %swap3A_11 = vector.load %arg6[%swap3A_9, %swap3A_10] : memref<1000x64xf32, #tpu.memory_space<vmem>>, vector<1000x64xf32>
    tpu.vector_store %arg6[%swap3A_9, %swap3A_10], %slice3A_8 {strides = array<i32>} : memref<1000x64xf32, #tpu.memory_space<vmem>>, vector<1000x64xf32>,
    %get3A_12 = arith.constant 0 : index
    %get3A_13 = arith.constant 0 : index
    %get3A_14 = vector.load %arg3[%get3A_12, %get3A_13] : memref<128x128xf32, #tpu.memory_space<vmem>>, vector<128x128xf32>
    %dot_general3A_15 = arith.constant dense<0.000000e+00> : vector<1000x128xf32>
    %dot_general3A_16 = tpu.matmul %get3A_1, %get3A_14, %dot_general3A_15 {dimension_numbers = #tpu.dot_dimension_numbers<[1], [0], [0], [1], [0, 0, 1, 1], [], []>, transpose_lhs_hint = false} : vector<1000x128xf32>, vector<128x128xf32>, vector<1000x128xf32> -> vector<1000x128xf32>
    %get3A_17 = arith.constant 0 : index
    %get3A_18 = arith.constant 0 : index
    %get3A_19 = vector.load %arg4[%get3A_17, %get3A_18] : memref<1x128xf32, #tpu.memory_space<vmem>>, vector<1x128xf32>
    %add3A = vector.broadcast %get3A_19 : vector<1x128xf32> to vector<1000x128xf32>
    %add3A_20 = arith.addf %dot_general3A_16, %add3A : vector<1000x128xf32>
    %swap3A_21 = arith.constant 0 : index
    %swap3A_22 = arith.constant 0 : index
    %swap3A_23 = vector.load %arg7[%swap3A_21, %swap3A_22] : memref<1000x128xf32, #tpu.memory_space<vmem>>, vector<1000x128xf32>
    tpu.vector_store %arg7[%swap3A_21, %swap3A_22], %add3A_20 {strides = array<i32>} : memref<1000x128xf32, #tpu.memory_space<vmem>>, vector<1000x128xf32>,
    return
  }
  func.func @transform_0(%arg0: i32) -> (i32, i32) {
    %c0_i32 = arith.constant 0 : i32
    %c0_i32_0 = arith.constant 0 : i32
    return %arg0, %c0_i32 : i32, i32
  }
  func.func @transform_1(%arg0: i32) -> (i32, i32) {
    %c0_i32 = arith.constant 0 : i32
    %c0_i32_0 = arith.constant 0 : i32
    %c0_i32_1 = arith.constant 0 : i32
    return %c0_i32, %c0_i32_0 : i32, i32
  }
  func.func @transform_2(%arg0: i32) -> (i32, i32) {
    %c0_i32 = arith.constant 0 : i32
    %c0_i32_0 = arith.constant 0 : i32
    %c0_i32_1 = arith.constant 0 : i32
    return %c0_i32, %c0_i32_0 : i32, i32
  }
  func.func @transform_3(%arg0: i32) -> (i32, i32) {
    %c0_i32 = arith.constant 0 : i32
    %c0_i32_0 = arith.constant 0 : i32
    %c0_i32_1 = arith.constant 0 : i32
    return %c0_i32, %c0_i32_0 : i32, i32
  }
  func.func @transform_4(%arg0: i32) -> (i32, i32) {
    %c0_i32 = arith.constant 0 : i32
    %c0_i32_0 = arith.constant 0 : i32
    return %arg0, %c0_i32 : i32, i32
  }
  func.func @transform_5(%arg0: i32) -> (i32, i32) {
    %c0_i32 = arith.constant 0 : i32
    %c0_i32_0 = arith.constant 0 : i32
    return %arg0, %c0_i32 : i32, i32
  }
  func.func @transform_6(%arg0: i32) -> (i32, i32) {
    %c0_i32 = arith.constant 0 : i32
    %c0_i32_0 = arith.constant 0 : i32
    return %arg0, %c0_i32 : i32, i32
  }
}

module attributes {stable_mosaic.version = 14 : i64} {
  func.func @_stage_b_body(%arg0: i32, %arg1: memref<2x1000x64xf32, #tpu.memory_space<vmem>>, %arg2: memref<2x1000x64xf32, #tpu.memory_space<vmem>>, %arg3: memref<2x1000x16xf32, #tpu.memory_space<vmem>>, %arg4: memref<1000x128xf32, #tpu.memory_space<vmem>>, %arg5: memref<128x64xf32, #tpu.memory_space<vmem>>, %arg6: memref<128x64xf32, #tpu.memory_space<vmem>>, %arg7: memref<1x64xf32, #tpu.memory_space<vmem>>, %arg8: memref<1000x64xf32, #tpu.memory_space<vmem>>, %arg9: memref<1000x64xf32, #tpu.memory_space<vmem>>) attributes {dimension_semantics = [#tpu.dimension_semantics<arbitrary>], iteration_bounds = array<i64: 10>, scalar_prefetch = 0 : i64, scratch_operands = 0 : i64, tpu.core_type = #tpu.core_type<tc>, window_params = [{transform_indices = @transform_0, window_bounds = array<i64: 2, 1000, 64>}, {transform_indices = @transform_1, window_bounds = array<i64: 2, 1000, 64>}, {transform_indices = @transform_2, window_bounds = array<i64: 2, 1000, 16>}, {transform_indices = @transform_3, window_bounds = array<i64: 1000, 128>}, {pipeline_mode = #tpu.pipeline_mode<synchronous>, transform_indices = @transform_4, window_bounds = array<i64: 128, 64>}, {pipeline_mode = #tpu.pipeline_mode<synchronous>, transform_indices = @transform_5, window_bounds = array<i64: 128, 64>}, {pipeline_mode = #tpu.pipeline_mode<synchronous>, transform_indices = @transform_6, window_bounds = array<i64: 1, 64>}, {transform_indices = @transform_7, window_bounds = array<i64: 1000, 64>}, {transform_indices = @transform_8, window_bounds = array<i64: 1000, 64>}]} {
    %get3A = arith.constant 0 : index
    %get3A_0 = arith.constant 0 : index
    %get3A_1 = arith.constant 0 : index
    %get3A_2 = vector.load %arg1[%get3A, %get3A_0, %get3A_1] : memref<2x1000x64xf32, #tpu.memory_space<vmem>>, vector<1x1000x64xf32>
    %get3A_3 = vector.shape_cast %get3A_2 : vector<1x1000x64xf32> to vector<1000x64xf32>
    %get3A_4 = arith.constant 1 : index
    %get3A_5 = arith.constant 0 : index
    %get3A_6 = arith.constant 0 : index
    %get3A_7 = vector.load %arg1[%get3A_4, %get3A_5, %get3A_6] : memref<2x1000x64xf32, #tpu.memory_space<vmem>>, vector<1x1000x64xf32>
    %get3A_8 = vector.shape_cast %get3A_7 : vector<1x1000x64xf32> to vector<1000x64xf32>
    %add3A = arith.addf %get3A_3, %get3A_8 : vector<1000x64xf32>
    %get3A_9 = arith.constant 0 : index
    %get3A_10 = arith.constant 0 : index
    %get3A_11 = arith.constant 0 : index
    %get3A_12 = vector.load %arg2[%get3A_9, %get3A_10, %get3A_11] : memref<2x1000x64xf32, #tpu.memory_space<vmem>>, vector<1x1000x64xf32>
    %get3A_13 = vector.shape_cast %get3A_12 : vector<1x1000x64xf32> to vector<1000x64xf32>
    %get3A_14 = arith.constant 1 : index
    %get3A_15 = arith.constant 0 : index
    %get3A_16 = arith.constant 0 : index
    %get3A_17 = vector.load %arg2[%get3A_14, %get3A_15, %get3A_16] : memref<2x1000x64xf32, #tpu.memory_space<vmem>>, vector<1x1000x64xf32>
    %get3A_18 = vector.shape_cast %get3A_17 : vector<1x1000x64xf32> to vector<1000x64xf32>
    %add3A_19 = arith.addf %get3A_13, %get3A_18 : vector<1000x64xf32>
    %concatenate3A = tpu.concatenate %add3A, %add3A_19 in 1 : vector<1000x64xf32>, vector<1000x64xf32> -> vector<1000x128xf32>
    %get3A_20 = arith.constant 0 : index
    %get3A_21 = arith.constant 0 : index
    %get3A_22 = arith.constant 0 : index
    %get3A_23 = vector.load %arg3[%get3A_20, %get3A_21, %get3A_22] : memref<2x1000x16xf32, #tpu.memory_space<vmem>>, vector<1x1000x1xf32>
    %get3A_24 = vector.shape_cast %get3A_23 : vector<1x1000x1xf32> to vector<1000x1xf32>
    %get3A_25 = arith.constant 1 : index
    %get3A_26 = arith.constant 0 : index
    %get3A_27 = arith.constant 0 : index
    %get3A_28 = vector.load %arg3[%get3A_25, %get3A_26, %get3A_27] : memref<2x1000x16xf32, #tpu.memory_space<vmem>>, vector<1x1000x1xf32>
    %get3A_29 = vector.shape_cast %get3A_28 : vector<1x1000x1xf32> to vector<1000x1xf32>
    %add3A_30 = arith.addf %get3A_24, %get3A_29 : vector<1000x1xf32>
    %max3A = arith.constant 1.000000e+00 : f32
    %max3A_31 = vector.broadcast %max3A : f32 to vector<1000x1xf32>
    %max3A_32 = arith.maximumf %add3A_30, %max3A_31 : vector<1000x1xf32>
    %div3A = arith.constant 1.000000e+00 : f32
    %div3A_33 = vector.broadcast %div3A : f32 to vector<1000x1xf32>
    %div3A_34 = arith.divf %div3A_33, %max3A_32 : vector<1000x1xf32>
    %mul3A = vector.broadcast %div3A_34 : vector<1000x1xf32> to vector<1000x128xf32>
    %mul3A_35 = arith.mulf %concatenate3A, %mul3A : vector<1000x128xf32>
    %get3A_36 = arith.constant 0 : index
    %get3A_37 = arith.constant 0 : index
    %get3A_38 = vector.load %arg4[%get3A_36, %get3A_37] : memref<1000x128xf32, #tpu.memory_space<vmem>>, vector<1000x128xf32>
    %add3A_39 = arith.addf %mul3A_35, %get3A_38 : vector<1000x128xf32>
    %max3A_40 = arith.constant 0.000000e+00 : f32
    %max3A_41 = vector.broadcast %max3A_40 : f32 to vector<1000x128xf32>
    %max3A_42 = arith.maximumf %add3A_39, %max3A_41 : vector<1000x128xf32>
    %get3A_43 = arith.constant 0 : index
    %get3A_44 = arith.constant 0 : index
    %get3A_45 = vector.load %arg5[%get3A_43, %get3A_44] : memref<128x64xf32, #tpu.memory_space<vmem>>, vector<128x64xf32>
    %dot_general3A = arith.constant dense<0.000000e+00> : vector<1000x64xf32>
    %dot_general3A_46 = tpu.matmul %max3A_42, %get3A_45, %dot_general3A {dimension_numbers = #tpu.dot_dimension_numbers<[1], [0], [0], [1], [0, 0, 1, 1], [], []>, transpose_lhs_hint = false} : vector<1000x128xf32>, vector<128x64xf32>, vector<1000x64xf32> -> vector<1000x64xf32>
    %swap3A = arith.constant 0 : index
    %swap3A_47 = arith.constant 0 : index
    %swap3A_48 = vector.load %arg8[%swap3A, %swap3A_47] : memref<1000x64xf32, #tpu.memory_space<vmem>>, vector<1000x64xf32>
    tpu.vector_store %arg8[%swap3A, %swap3A_47], %dot_general3A_46 {strides = array<i32>} : memref<1000x64xf32, #tpu.memory_space<vmem>>, vector<1000x64xf32>,
    %get3A_49 = arith.constant 0 : index
    %get3A_50 = arith.constant 0 : index
    %get3A_51 = vector.load %arg6[%get3A_49, %get3A_50] : memref<128x64xf32, #tpu.memory_space<vmem>>, vector<128x64xf32>
    %dot_general3A_52 = arith.constant dense<0.000000e+00> : vector<1000x64xf32>
    %dot_general3A_53 = tpu.matmul %max3A_42, %get3A_51, %dot_general3A_52 {dimension_numbers = #tpu.dot_dimension_numbers<[1], [0], [0], [1], [0, 0, 1, 1], [], []>, transpose_lhs_hint = false} : vector<1000x128xf32>, vector<128x64xf32>, vector<1000x64xf32> -> vector<1000x64xf32>
    %get3A_54 = arith.constant 0 : index
    %get3A_55 = arith.constant 0 : index
    %get3A_56 = vector.load %arg7[%get3A_54, %get3A_55] : memref<1x64xf32, #tpu.memory_space<vmem>>, vector<1x64xf32>
    %add3A_57 = vector.broadcast %get3A_56 : vector<1x64xf32> to vector<1000x64xf32>
    %add3A_58 = arith.addf %dot_general3A_53, %add3A_57 : vector<1000x64xf32>
    %swap3A_59 = arith.constant 0 : index
    %swap3A_60 = arith.constant 0 : index
    %swap3A_61 = vector.load %arg9[%swap3A_59, %swap3A_60] : memref<1000x64xf32, #tpu.memory_space<vmem>>, vector<1000x64xf32>
    tpu.vector_store %arg9[%swap3A_59, %swap3A_60], %add3A_58 {strides = array<i32>} : memref<1000x64xf32, #tpu.memory_space<vmem>>, vector<1000x64xf32>,
    return
  }
  func.func @transform_0(%arg0: i32) -> (i32, i32, i32) {
    %c0_i32 = arith.constant 0 : i32
    %c0_i32_0 = arith.constant 0 : i32
    %c0_i32_1 = arith.constant 0 : i32
    return %c0_i32, %arg0, %c0_i32_0 : i32, i32, i32
  }
  func.func @transform_1(%arg0: i32) -> (i32, i32, i32) {
    %c0_i32 = arith.constant 0 : i32
    %c0_i32_0 = arith.constant 0 : i32
    %c0_i32_1 = arith.constant 0 : i32
    return %c0_i32, %arg0, %c0_i32_0 : i32, i32, i32
  }
  func.func @transform_2(%arg0: i32) -> (i32, i32, i32) {
    %c0_i32 = arith.constant 0 : i32
    %c0_i32_0 = arith.constant 0 : i32
    %c0_i32_1 = arith.constant 0 : i32
    return %c0_i32, %arg0, %c0_i32_0 : i32, i32, i32
  }
  func.func @transform_3(%arg0: i32) -> (i32, i32) {
    %c0_i32 = arith.constant 0 : i32
    %c0_i32_0 = arith.constant 0 : i32
    return %arg0, %c0_i32 : i32, i32
  }
  func.func @transform_4(%arg0: i32) -> (i32, i32) {
    %c0_i32 = arith.constant 0 : i32
    %c0_i32_0 = arith.constant 0 : i32
    %c0_i32_1 = arith.constant 0 : i32
    return %c0_i32, %c0_i32_0 : i32, i32
  }
  func.func @transform_5(%arg0: i32) -> (i32, i32) {
    %c0_i32 = arith.constant 0 : i32
    %c0_i32_0 = arith.constant 0 : i32
    %c0_i32_1 = arith.constant 0 : i32
    return %c0_i32, %c0_i32_0 : i32, i32
  }
  func.func @transform_6(%arg0: i32) -> (i32, i32) {
    %c0_i32 = arith.constant 0 : i32
    %c0_i32_0 = arith.constant 0 : i32
    %c0_i32_1 = arith.constant 0 : i32
    return %c0_i32, %c0_i32_0 : i32, i32
  }
  func.func @transform_7(%arg0: i32) -> (i32, i32) {
    %c0_i32 = arith.constant 0 : i32
    %c0_i32_0 = arith.constant 0 : i32
    return %arg0, %c0_i32 : i32, i32
  }
  func.func @transform_8(%arg0: i32) -> (i32, i32) {
    %c0_i32 = arith.constant 0 : i32
    %c0_i32_0 = arith.constant 0 : i32
    return %arg0, %c0_i32 : i32, i32
  }
}

module attributes {stable_mosaic.version = 14 : i64} {
  func.func @_stage_c_body(%arg0: i32, %arg1: memref<2x1000x64xf32, #tpu.memory_space<vmem>>, %arg2: memref<2x1000x16xf32, #tpu.memory_space<vmem>>, %arg3: memref<1000x64xf32, #tpu.memory_space<vmem>>, %arg4: memref<1000x64xf32, #tpu.memory_space<vmem>>) attributes {dimension_semantics = [#tpu.dimension_semantics<arbitrary>], iteration_bounds = array<i64: 10>, scalar_prefetch = 0 : i64, scratch_operands = 0 : i64, tpu.core_type = #tpu.core_type<tc>, window_params = [{transform_indices = @transform_0, window_bounds = array<i64: 2, 1000, 64>}, {transform_indices = @transform_1, window_bounds = array<i64: 2, 1000, 16>}, {transform_indices = @transform_2, window_bounds = array<i64: 1000, 64>}, {transform_indices = @transform_3, window_bounds = array<i64: 1000, 64>}]} {
    %get3A = arith.constant 0 : index
    %get3A_0 = arith.constant 0 : index
    %get3A_1 = arith.constant 0 : index
    %get3A_2 = vector.load %arg1[%get3A, %get3A_0, %get3A_1] : memref<2x1000x64xf32, #tpu.memory_space<vmem>>, vector<1x1000x64xf32>
    %get3A_3 = vector.shape_cast %get3A_2 : vector<1x1000x64xf32> to vector<1000x64xf32>
    %get3A_4 = arith.constant 1 : index
    %get3A_5 = arith.constant 0 : index
    %get3A_6 = arith.constant 0 : index
    %get3A_7 = vector.load %arg1[%get3A_4, %get3A_5, %get3A_6] : memref<2x1000x64xf32, #tpu.memory_space<vmem>>, vector<1x1000x64xf32>
    %get3A_8 = vector.shape_cast %get3A_7 : vector<1x1000x64xf32> to vector<1000x64xf32>
    %add3A = arith.addf %get3A_3, %get3A_8 : vector<1000x64xf32>
    %get3A_9 = arith.constant 0 : index
    %get3A_10 = arith.constant 0 : index
    %get3A_11 = arith.constant 0 : index
    %get3A_12 = vector.load %arg2[%get3A_9, %get3A_10, %get3A_11] : memref<2x1000x16xf32, #tpu.memory_space<vmem>>, vector<1x1000x1xf32>
    %get3A_13 = vector.shape_cast %get3A_12 : vector<1x1000x1xf32> to vector<1000x1xf32>
    %get3A_14 = arith.constant 1 : index
    %get3A_15 = arith.constant 0 : index
    %get3A_16 = arith.constant 0 : index
    %get3A_17 = vector.load %arg2[%get3A_14, %get3A_15, %get3A_16] : memref<2x1000x16xf32, #tpu.memory_space<vmem>>, vector<1x1000x1xf32>
    %get3A_18 = vector.shape_cast %get3A_17 : vector<1x1000x1xf32> to vector<1000x1xf32>
    %add3A_19 = arith.addf %get3A_13, %get3A_18 : vector<1000x1xf32>
    %max3A = arith.constant 1.000000e+00 : f32
    %max3A_20 = vector.broadcast %max3A : f32 to vector<1000x1xf32>
    %max3A_21 = arith.maximumf %add3A_19, %max3A_20 : vector<1000x1xf32>
    %div3A = arith.constant 1.000000e+00 : f32
    %div3A_22 = vector.broadcast %div3A : f32 to vector<1000x1xf32>
    %div3A_23 = arith.divf %div3A_22, %max3A_21 : vector<1000x1xf32>
    %mul3A = vector.broadcast %div3A_23 : vector<1000x1xf32> to vector<1000x64xf32>
    %mul3A_24 = arith.mulf %add3A, %mul3A : vector<1000x64xf32>
    %get3A_25 = arith.constant 0 : index
    %get3A_26 = arith.constant 0 : index
    %get3A_27 = vector.load %arg3[%get3A_25, %get3A_26] : memref<1000x64xf32, #tpu.memory_space<vmem>>, vector<1000x64xf32>
    %add3A_28 = arith.addf %mul3A_24, %get3A_27 : vector<1000x64xf32>
    %swap3A = arith.constant 0 : index
    %swap3A_29 = arith.constant 0 : index
    %swap3A_30 = vector.load %arg4[%swap3A, %swap3A_29] : memref<1000x64xf32, #tpu.memory_space<vmem>>, vector<1000x64xf32>
    tpu.vector_store %arg4[%swap3A, %swap3A_29], %add3A_28 {strides = array<i32>} : memref<1000x64xf32, #tpu.memory_space<vmem>>, vector<1000x64xf32>,
    return
  }
  func.func @transform_0(%arg0: i32) -> (i32, i32, i32) {
    %c0_i32 = arith.constant 0 : i32
    %c0_i32_0 = arith.constant 0 : i32
    %c0_i32_1 = arith.constant 0 : i32
    return %c0_i32, %arg0, %c0_i32_0 : i32, i32, i32
  }
  func.func @transform_1(%arg0: i32) -> (i32, i32, i32) {
    %c0_i32 = arith.constant 0 : i32
    %c0_i32_0 = arith.constant 0 : i32
    %c0_i32_1 = arith.constant 0 : i32
    return %c0_i32, %arg0, %c0_i32_0 : i32, i32, i32
  }
  func.func @transform_2(%arg0: i32) -> (i32, i32) {
    %c0_i32 = arith.constant 0 : i32
    %c0_i32_0 = arith.constant 0 : i32
    return %arg0, %c0_i32 : i32, i32
  }
  func.func @transform_3(%arg0: i32) -> (i32, i32) {
    %c0_i32 = arith.constant 0 : i32
    %c0_i32_0 = arith.constant 0 : i32
    return %arg0, %c0_i32 : i32, i32
  }
}

</mosaic_0001>

<sc_bundles>
// kernel: kernel.11.cloned.1.call-start
scs
__scs_entry_jumppad:
0x0: {  	(pc) =	sbr.rel $0x88, $3  }
0x1: {  	(tag) =	ssettag $0x0;
	lr =	simm.s32 $0x1  }
0x2: {  	[smem:$0x3F99] =	sst lr;
	_ =	strace $0xD0000000  }
0x3: {  	_ = 	snop  }
0x4: {  	_ = 	snop  }
0x5: {  	_ = 	snop  }
0x6: {  	_ = 	snop  }
0x7: {  	_ = 	snop  }
__scs_overlays_trampoline_lowered:
0x8: {  	[smem:$0x3FA8] =	sst s0  }
0x9: {  	[smem:$0x3FA9] =	sst s1  }
0xa: {  	[smem:$0x3FAA] =	sst s2  }
0xb: {  	[smem:$0x3FAB] =	sst s3  }
0xc: {  	[smem:$0x3FAC] =	sst s4  }
0xd: {  	[smem:$0x3FAD] =	sst s5  }
0xe: {  	[smem:$0x3FAE] =	sst s6  }
0xf: {  	[smem:$0x3FAF] =	sst s7  }
0x10: {  	[smem:$0x3FB0] =	sst s8  }
0x11: {  	[smem:$0x3FB1] =	sst s9;
	s0 =	simm.s32 @!p0 $0x0  }
0x12: {  	s1 =	sld [smem:$0x3F97];
	s0 =	simm.s32 @p0 $0x1  }
0x13: {  	[smem:$0x3FB2] =	sst s0;
	s0 =	simm.s32 @!p1 $0x0  }
0x14: {  	s2 =	sld [smem:$0x3F96];
	s0 =	simm.s32 @p1 $0x1  }
0x15: {  	[smem:$0x3FB3] =	sst s0;
	s0 =	simm.s32 @!p2 $0x0  }
0x16: {  	s3 =	sld [smem:$0x3FDB];
	s0 =	simm.s32 @p2 $0x1  }
0x17: {  	s4 =	simm.s32 $0x1BF5;
	[smem:$0x3FB5] =	sst s0  }
0x18: {  	s0 =	sld [smem:$0x3F98];
	_ =	swait.ge [sflag:s4], $0x0  }
0x19: {  	s7 =	sld [smem:$0x3F99]  }
0x1a: {  	s8 =	sadd.s32 $0xFFFFE003, lr  }
0x1b: {  	s9 =	sadd.s32 $0xFFFFFEF7, lr;
	s5 =	simm.s32 $0xFFFFFFFF;
	p2 =	slt.u32 s8, $0xFFFFF086  }
0x1c: {  	p1 =	slt.u32 s9, $0xF7A;
	s5 =	simm.s32 @!p2 $0x0  }
0x1d: {  	s5 =	simm.s32 @p1 $0x1;
	p0 =	seq.s32 s7, s2  }
0x1e: {  	s7 =	smul.u32 @!p0 $0xF7A, s2;
	p2 =	seq.s32 @!p0 s5, $0x0  }
0x1f: {  	s9 =	smul.u32 $0xF7A, s1;
	s8 =	simm.s32 @!p0 $0x1BF5;
	p2 =	por !p2, p0  }
0x20: {  	[sflag:s8] =	ssyncset.s32 @!p0 $0xFFFFF086;
	s6 =	sadd.s32 @!p0 s3, s7;
	s7 =	simm.s32 @!p0 $0x108  }
0x21: {  	s3 =	sadd.s32 s3, s9;
	s6 =	sadd.s32 @!p0 $0x88, s6;
	s7 =	simm.s32 @p2 $0x1082  }
0x22: {  	[simem:s7], [sflag:s8] =	dma.local @!p0 [hbm:s6], $0xF7A  }
0x23: {  	s9 =	sor.u32 $0xD0000000, s2;
	s6 =	simm.s32 $0x108;
	_ =	swait.ge @!p0 [sflag:s8], $0x0  }
0x24: {  	s3 =	sadd.s32 $0x88, s3;
	s6 =	simm.s32 @!p1 $0x1082;
	[sflag:s4] =	ssyncset.s32 $0xFFFFF086  }
0x25: {  	[simem:s6], [sflag:s4] =	dma.local [hbm:s3], $0xF7A  }
0x26: {  	[smem:$0x3F99] =	sst s1;
	(tag) =	ssettag s2;
	_ =	strace s9  }
0x27: {  	s1 =	sld [smem:$0x3FA9]  }
0x28: {  	s2 =	sld [smem:$0x3FAA]  }
0x29: {  	s4 =	sld [smem:$0x3FAC]  }
0x2a: {  	p0 =	seq.s32 s5, $0x0;
	s5 =	sld [smem:$0x3FAD]  }
0x2b: {  	s6 =	sld [smem:$0x3FAE]  }
0x2c: {  	s7 =	sld [smem:$0x3FAF]  }
0x2d: {  	s3 =	simm.s32 $0x108;
	s8 =	sld [smem:$0x3FB0]  }
0x2e: {  	s3 =	simm.s32 @!p0 $0x1082;
	s9 =	sld [smem:$0x3FB1]  }
0x2f: {  	lr =	sadd.s32 s0, s3;
	s0 =	sld [smem:$0x3FA8]  }
0x30: {  	s3 =	sld [smem:$0x3FAB]  }
0x31: {  	[smem:$0x3FB4] =	sst s10  }
0x32: {  	s10 =	sld [smem:$0x3FB2];
	_ =	sdelay $0x3  }
0x33: {  	p0 =	seq.s32 s10, $0x1;
	s10 =	sld [smem:$0x3FB4];
	_ =	sdelay $0x3  }
0x34: {  	[smem:$0x3FB4] =	sst s10  }
0x35: {  	s10 =	sld [smem:$0x3FB3];
	_ =	sdelay $0x3  }
0x36: {  	p1 =	seq.s32 s10, $0x1;
	s10 =	sld [smem:$0x3FB4];
	_ =	sdelay $0x3  }
0x37: {  	[smem:$0x3FB4] =	sst s10  }
0x38: {  	s10 =	sld [smem:$0x3FB5]  }
0x39: {  	_ = 	snop;
	(pc) =	sbr.ind lr, $3  }
0x3a: {  	_ = 	snop  }
0x3b: {  	_ = 	snop  }
0x3c: {  	p2 =	seq.s32 s10, $0x1;
	s10 =	sld [smem:$0x3FB4]  }
0x3d: {  	_ =	shalt  }
0x3e: {  	_ =	shalt  }
0x3f: {  	_ =	shalt  }
0x40: {  	_ =	shalt  }
0x41: {  	_ =	shalt  }
0x42: {  	_ =	shalt  }
0x43: {  	_ =	shalt  }
0x44: {  	_ =	shalt  }
0x45: {  	_ =	shalt  }
0x46: {  	_ =	shalt  }
0x47: {  	_ =	shalt  }
0x48: {  	_ =	shalt  }
0x49: {  	_ =	shalt  }
0x4a: {  	_ =	shalt  }
0x4b: {  	_ =	shalt  }
0x4c: {  	_ =	shalt  }
0x4d: {  	_ =	shalt  }
0x4e: {  	_ =	shalt  }
0x4f: {  	_ =	shalt  }
0x50: {  	_ =	shalt  }
0x51: {  	_ =	shalt  }
0x52: {  	_ =	shalt  }
0x53: {  	_ =	shalt  }
0x54: {  	_ =	shalt  }
0x55: {  	_ =	shalt  }
0x56: {  	_ =	shalt  }
0x57: {  	_ =	shalt  }
0x58: {  	_ =	shalt  }
0x59: {  	_ =	shalt  }
0x5a: {  	_ =	shalt  }
0x5b: {  	_ =	shalt  }
0x5c: {  	_ =	shalt  }
0x5d: {  	_ =	shalt  }
0x5e: {  	_ =	shalt  }
0x5f: {  	_ =	shalt  }
0x60: {  	_ =	shalt  }
0x61: {  	_ =	shalt  }
0x62: {  	_ =	shalt  }
0x63: {  	_ =	shalt  }
0x64: {  	_ =	shalt  }
0x65: {  	_ =	shalt  }
0x66: {  	_ =	shalt  }
0x67: {  	_ =	shalt  }
0x68: {  	_ =	shalt  }
0x69: {  	_ =	shalt  }
0x6a: {  	_ =	shalt  }
0x6b: {  	_ =	shalt  }
0x6c: {  	_ =	shalt  }
0x6d: {  	_ =	shalt  }
0x6e: {  	_ =	shalt  }
0x6f: {  	_ =	shalt  }
0x70: {  	_ =	shalt  }
0x71: {  	_ =	shalt  }
0x72: {  	_ =	shalt  }
0x73: {  	_ =	shalt  }
0x74: {  	_ =	shalt  }
0x75: {  	_ =	shalt  }
0x76: {  	_ =	shalt  }
0x77: {  	_ =	shalt  }
0x78: {  	_ =	shalt  }
0x79: {  	_ =	shalt  }
0x7a: {  	_ =	shalt  }
0x7b: {  	_ =	shalt  }
0x7c: {  	_ =	shalt  }
0x7d: {  	_ =	shalt  }
0x7e: {  	_ =	shalt  }
0x7f: {  	_ =	shalt  }
0x80: {  	_ =	shalt  }
0x81: {  	_ =	shalt  }
0x82: {  	_ =	shalt  }
0x83: {  	_ =	shalt  }
0x84: {  	_ =	shalt  }
0x85: {  	_ =	shalt  }
0x86: {  	_ =	shalt  }
0x87: {  	_ =	shalt  }
.Lfunc_end0:
.L_simem_size_0:
called_computation.1_lowered:
.L_overlay_start_0:
0x88: {  	s2 =	sld [smem:$0x3FD9]  }
0x89: {  	s3 =	sld [smem:$0x3FFE];
	_ =	sdelay $0x1  }
0x8a: {  	s1 =	srdreg.scid  }
0x8b: {  	s0 =	sand.u32 $0x1, s1  }
0x8c: {  	s14 =	sshll.u32 s0, $0xA;
	s2 =	sadd.s32 s3, s2  }
0x8d: {  	s2 =	sadd.s32 s2, s14  }
0x8e: {  	[smem:$0x3FC0] =	sst s2  }
0x8f: {  	_ = 	snop  }
0x90: {  	s2 =	sld [smem:$0x3FD0];
	_ =	sdelay $0x2  }
0x91: {  	s15 =	simm.s32 $0xB;
	s4 =	simm.s32 $0x10  }
0x92: {  	[smem:s4], [sflag:s15] =	dma.local [hbm:s2], $0x1  }
0x93: {  	_ =	swait.eq [sflag:s15], $0x1  }
0x94: {  	[sflag:s15] =	ssyncset.done $0x0  }
0x95: {  	s16 =	sld [smem:$0x10];
	[sflag:s15] =	ssyncadd.s32 $0xFFFFFFFF  }
0x96: {  	s17 =	sld [smem:$0x11];
	(tm) =	ssettm $0x1  }
0x97: {  	s18 =	sld [smem:$0x3FFB];
	_ =	sdelay $0x3  }
0x98: {  	_ =	strace s18  }
0x99: {  	s4 =	sld [smem:$0x3FFC];
	_ =	sdelay $0x3  }
0x9a: {  	_ =	strace s4  }
0x9b: {  	s4 =	sld [smem:$0x3FFD];
	_ =	sdelay $0x3  }
0x9c: {  	_ =	strace s4  }
0x9d: {  	_ =	strace $0x8FFFFFFF  }
0x9e: {  	s19 =	sld [smem:$0x3FDB];
	_ =	sdelay $0x1  }
0x9f: {  	s5 =	simm.s32 $_scs_section_size  }
0xa0: {  	s6 =	simm.s32 $_size__tile_overlayer_lowered;
	s7 =	simm.s32 $_tile_overlayer_lowered  }
0xa1: {  	s22 =	simm.s32 $0x1BFF;
	s21 =	sshll.u32 s7, $0x1;
	s4 =	sadd.s32 s5, s19  }
0xa2: {  	s8 =	simm.s32 $0x0;
	s20 =	sshll.u32 s6, $0x1;
	s6 =	sadd.s32 s21, s4  }
0xa3: {  	[timem:s8], [sflag:s22] =	dma.local [hbm:s6], s20  }
0xa4: {  	_ =	swait.ge [sflag:s22], s20  }
0xa5: {  	s5 =	ssub.s32 $0x0, s20;
	[sflag:s22] =	ssyncset.done $0x0  }
0xa6: {  	[sflag:s22] =	ssyncadd.s32 s5;
	_ =	sdelay $0x1  }
0xa7: {  	s23 =	simm.s32 $0x1B8B  }
0xa8: {  	_ =	swait.ge [sflag:s23], $0x1  }
0xa9: {  	[sflag:s23] =	ssyncset.done $0x0  }
0xaa: {  	s25 =	simm.s32 $0x1B8E;
	s24 =	sld [smem:$0x3FFE];
	[sflag:s23] =	ssyncadd.s32 $0xFFFFFFFF  }
0xab: {  	s26 =	simm.s32 $execute0_lowered;
	[smem:$0x3FD2] =	sst s25  }
0xac: {  	s6 =	sshll.u32 s26, $0x1;
	_ =	strace $0x80000046;
	[dreg:$0x1] =	wrdreg $0xFFFFFFFF  }
0xad: {  	s28 =	simm.s32 $_size_execute0_lowered;
	s4 =	sadd.s32 s4, s6;
	[dreg:$0x0] =	wrdreg $0x0  }
0xae: {  	s6 =	sshll.u32 s28, $0x1;
	[dreg:$0x2] =	wrdreg s4  }
0xaf: {  	[dreg:$0x3] =	wrdreg s6  }
0xb0: {  	[dreg:$0x4] =	wrdreg $0xC0  }
0xb1: {  	_ =	task [dreg:s8], $0x5FFFF  }
0xb2: {  	[dreg:$0x1] =	wrdreg $0xFFFFFFFF  }
0xb3: {  	[dreg:$0x0] =	wrdreg $0x60  }
0xb4: {  	[dreg:$0x2] =	wrdreg s17  }
0xb5: {  	[dreg:$0x3] =	wrdreg s16  }
0xb6: {  	[dreg:$0x4] =	wrdreg s24  }
0xb7: {  	[dreg:$0x5] =	wrdreg $0x90000  }
0xb8: {  	[dreg:$0x6] =	wrdreg $0x12E000  }
0xb9: {  	[dreg:$0x7] =	wrdreg $0xA  }
0xba: {  	_ =	task.clear_ibuf [dreg:s8], $0x8FFFF;
	_ =	strace $0x90000046  }
0xbb: {  	s29 =	simm.s32 $0xA;
	_ =	strace $0x80000048  }
0xbc: {  	_ =	swait.ge [sflag:s29], $0x1  }
0xbd: {  	[sflag:s29] =	ssyncadd.s32 $0xFFFFFFFF  }
0xbe: {  	_ =	strace $0x90000048  }
0xbf: {  	_ =	sfence  }
0xc0: {  	s30 =	sld [smem:$0x0];
	_ =	sdelay $0x2  }
0xc1: {  	s31 =	sshll.u32 s1, $0xD;
	s1 =	sshrl.u32 s1, $0x2  }
0xc2: {  	s3 =	sand.u32 $0x4000, s31;
	s1 =	sadd.s32 s1, s30  }
0xc3: {  	s0 =	sor.u32 s3, s0;
	s1 =	sshll.u32 s1, $0x11  }
0xc4: {  	s0 =	sor.u32 s1, s0  }
0xc5: {  	s0 =	sadd.s32 $0x8F2B, s0  }
0xc6: {  	[sflag:s0] =	ssyncadd.remote.s32 $0x1  }
0xc7: {  	_ =	sfence.sel $0xFFFF  }
0xc8: {  	[dreg:$0x0] =	wrdreg $0xFFFFFFFF;
	(pc) =	sbr.abs _section_cstart, $3  }
0xc9: {  	[dreg:$0x1] =	wrdreg $0xFFFFFFFF  }
0xca: {  	_ =	task.clear_ibuf [dreg:s8], $0x2FFFF;
	_ =	strace $0x9FFFFFFF  }
0xcb: {  	(tm) =	ssettm $0x7FFFFFFF  }
tec
execute0_lowered:
.L_overlay_start_1:
0x0: {  	(tag) =	ssettag $0x1  }
0x1: {  	s0 =	rddreg [dreg:$0x0]  }
0x2: {  	s6 =	rddreg [dreg:$0x1]  }
0x3: {  	s1 =	srdreg.scid;
	s7 =	rddreg [dreg:$0x2]  }
0x4: {  	s19 =	stileid.u32;
	s2 =	rddreg [dreg:$0x3];
	s17 =	simm.s32 $0x3  }
0x5: {  	s21 =	simm.s32 $0x80;
	s22 =	simm.s32 $0x5000;
	s23 =	simm.s32 $0x7000  }
0x6: {  	s28 =	simm.s32 $0x4F00;
	s29 =	simm.s32 $0x4F80;
	s30 =	simm.s32 $0x0  }
0x7: {  	s1 =	sand.u32 $0x1, s1;
	s11 =	smul.u32 $0x9E00, s19;
	s18 =	sadd.s32 $0x94200, s2  }
0x8: {  	s14 =	sadd.s32 $0x12840, s6;
	p0 =	seq.s32 s19, $0xF;
	s3 =	sshll.u32 s1, $0x4  }
0x9: {  	s8 =	smul.u32 $0x9E000, s1;
	s1 =	ssub.s32 $0x2, s1;
	s4 =	sor.u32 s19, s3  }
0xa: {  	s3 =	rddreg [dreg:$0x4];
	s10 =	sshrl.u32 s1, $0x1;
	s26 =	sadd.s32 s11, s2  }
0xb: {  	s13 =	sshrl.u32 s11, $0x3;
	s5 =	smul.u32 $0x500, s4;
	s4 =	simm.s32 $0x0  }
0xc: {  	s8 =	sadd.s32 s11, s8;
	s1 =	ssub.s32 s1, s10;
	s31 =	sadd.s32 s0, s13  }
0xd: {  	s10 =	sadd.s32 $0x12840, s0;
	s11 =	sadd.s32 s11, s3;
	s13 =	sadd.s32 s6, s13  }
0xe: {  	s0 =	sshll.u32 @!p0 s19, $0x6;
	s19 =	sshrl.u32 @p0 s18, $0x3;
	[smem:$0x7FF] =	sst s4  }
0xf: {  	s8 =	sshrl.u32 s8, $0x3;
	s16 =	smax.u32 s1, $0x1;
	s20 =	sor.u32 @!p0 $0x1C03, s0  }
0x10: {  	_ =	strace $0x80000047;
	s9 =	sadd.s32 s5, s7;
	[dreg:$0x8] =	wrdreg s26  }
0x11: {  	s5 =	sadd.s32 $0x15E00, s7;
	s15 =	sadd.s32 s8, s7;
	[dreg:$0x9] =	wrdreg s31  }
0x12: {  	s26 =	simm.s32 $0x2780;
	s24 =	sadd.s32 $0xBE00, s9;
	s25 =	sadd.s32 $0x1E00, s9  }
0x13: {  	s12 =	sadd.s32 $0x3EA00, s15;
	s15 =	sadd.s32 $0x17200, s15;
	[dreg:$0x6] =	wrdreg s24  }
0x14: {  	[dreg:$0x7] =	wrdreg s25;
	s24 =	simm.s32 $0x1;
	s25 =	simm.s32 $0x2  }
.LBB2_1:
0x15: {  	s0 =	rddreg [dreg:$0x6]  }
0x16: {  	[tilespmem:s4], [sflag:$0x3] =	stream.linear.gather [hbm4b:s0+s4], $0x2800, $0x38;
	[tilespmem:$0x1CC00] =	vst v63  }
0x17: {  	_ =	swait.ge [sflag:s17], $0x2800  }
0x18: {  	[sflag:s17] =	ssyncset.done $0x0  }
0x19: {  	s1 =	simm.s32 $0x2800;
	s8 =	rddreg [dreg:$0x7];
	[sflag:s17] =	ssyncadd.s32 $0xFFFFD800  }
0x1a: {  	[tilespmem:s1], [sflag:$0x3] =	stream.linear.gather [hbm4b:s8+s4], $0x2800, $0x38;
	[tilespmem:$0x1CC00] =	vst v63  }
0x1b: {  	_ =	swait.ge [sflag:s17], $0x2800  }
0x1c: {  	[sflag:s17] =	ssyncset.done $0x0  }
0x1d: {  	s0 =	simm.s32 @p0 $0x1FC3;
	[sflag:s17] =	ssyncadd.s32 $0xFFFFD800  }
0x1e: {  	[spmem:s19], [sflag:s0] =	dma.local @p0 [hbm:s10], $0x1040  }
0x1f: {  	s0 =	simm.s32 @p0 $0x3  }
0x20: {  	_ =	swait.ge @p0 [sflag:s0], $0x1040  }
0x21: {  	[sflag:s0] =	ssyncset.done @p0 $0x0  }
0x22: {  	[sflag:s0] =	ssyncadd.s32 @p0 $0xFFFFEFC0;
	s0 =	rddreg [dreg:$0x8]  }
0x23: {  	s18 =	sshrl.u32 @!p0 s0, $0x3;
	s0 =	rddreg [dreg:$0x9]  }
0x24: {  	[spmem:s18], [sflag:s20] =	dma.local @!p0 [hbm:s0], $0x13C0  }
0x25: {  	s0 =	simm.s32 @!p0 $0x3  }
0x26: {  	s9 =	stileid.u32;
	_ =	swait.ge @!p0 [sflag:s0], $0x13C0  }
0x27: {  	s1 =	sshll.u32 s9, $0x6;
	[sflag:s0] =	ssyncset.done @!p0 $0x0  }
0x28: {  	s31 =	sor.u32 $0x1C03, s1;
	s1 =	sshrl.u32 s11, $0x3;
	[sflag:s0] =	ssyncadd.s32 @!p0 $0xFFFFEC40  }
0x29: {  	[spmem:s1], [sflag:s31] =	dma.local [hbm:s5], $0x13C0  }
0x2a: {  	_ =	swait.ge [sflag:s17], $0x13C0  }
0x2b: {  	[sflag:s17] =	ssyncset.done $0x0  }
0x2c: {  	[sflag:s17] =	ssyncadd.s32 $0xFFFFEC40  }
0x2d: {  	[bflag:$0x0] =	sbarrier.arrive $0xFFFF  }
0x2e: {  	[tilespmem:s22], [sflag:$0x1] =	stream.indirect.gather [spmem:s2], $0x40, s4, s21, $0xb8;
	[tilespmem:$0x1CC00] =	vst v63  }
0x2f: {  	s6 =	simm.s32 $0x80  }
0x30: {  	[tilespmem:s23], [sflag:$0x2] =	stream.indirect.gather [spmem:s2], $0x40, s6, s21, $0xb8;
	[tilespmem:$0x1CC00] =	vst v63  }
0x31: {  	_ =	swait.ge [sflag:s24], $0x2000  }
0x32: {  	[sflag:s24] =	ssyncset.done $0x0  }
0x33: {  	s7 =	simm.s32 $0x2800;
	[sflag:s24] =	ssyncadd.s32 $0xFFFFE000  }
0x34: {  	[spmem:s3] =	stream.indirect.scatter.add.f32 [tilespmem:s22], [sflag:$0x3], $0x40, s7, s21, $0xb8;
	[tilespmem:$0x1CC00] =	vst v63  }
0x35: {  	_ =	swait.ge [sflag:s17], $0x2000  }
0x36: {  	[sflag:s17] =	ssyncset.done $0x0  }
0x37: {  	s8 =	simm.s32 $0x100;
	[sflag:s17] =	ssyncadd.s32 $0xFFFFE000  }
0x38: {  	[tilespmem:s22], [sflag:$0x1] =	stream.indirect.gather [spmem:s2], $0x40, s8, s21, $0xb8;
	[tilespmem:$0x1CC00] =	vst v63  }
0x39: {  	_ =	swait.ge [sflag:s25], $0x2000  }
0x3a: {  	[sflag:s25] =	ssyncset.done $0x0  }
0x3b: {  	s9 =	simm.s32 $0x2880;
	[sflag:s25] =	ssyncadd.s32 $0xFFFFE000  }
0x3c: {  	[spmem:s3] =	stream.indirect.scatter.add.f32 [tilespmem:s23], [sflag:$0x3], $0x40, s9, s21, $0xb8;
	[tilespmem:$0x1CC00] =	vst v63  }
0x3d: {  	_ =	swait.ge [sflag:s17], $0x2000  }
0x3e: {  	s0 =	simm.s32 $0x100;
	s6 =	simm.s32 $0x800;
	[sflag:s17] =	ssyncset.done $0x0  }
.LBB2_2:
0x3f: {  	s7 =	sadd.s32 $0x80, s0  }
0x40: {  	[sflag:s17] =	ssyncadd.s32 $0xFFFFE000;
	s8 =	smov.u32 s6;
	s9 =	sadd.s32 $0x400, s6  }
0x41: {  	[tilespmem:s23], [sflag:$0x2] =	stream.indirect.gather [spmem:s2], $0x40, s7, s21, $0xb8;
	[tilespmem:$0x1CC00] =	vst v63  }
0x42: {  	p1 =	sne.s32 s6, $0x9800;
	_ =	swait.ge [sflag:s24], $0x2000  }
0x43: {  	[sflag:s24] =	ssyncset.done $0x0  }
0x44: {  	s6 =	sadd.s32 $0x2800, s0;
	[sflag:s24] =	ssyncadd.s32 $0xFFFFE000  }
0x45: {  	[spmem:s3] =	stream.indirect.scatter.add.f32 [tilespmem:s22], [sflag:$0x3], $0x40, s6, s21, $0xb8;
	[tilespmem:$0x1CC00] =	vst v63  }
0x46: {  	_ =	swait.ge [sflag:s17], $0x2000  }
0x47: {  	[sflag:s17] =	ssyncset.done $0x0  }
0x48: {  	s6 =	sadd.s32 $0x100, s0;
	[sflag:s17] =	ssyncadd.s32 $0xFFFFE000  }
0x49: {  	[tilespmem:s22], [sflag:$0x1] =	stream.indirect.gather [spmem:s2], $0x40, s6, s21, $0xb8;
	[tilespmem:$0x1CC00] =	vst v63  }
0x4a: {  	_ =	swait.ge [sflag:s25], $0x2000  }
.Ltmp0:
0x4b: {  	[sflag:s25] =	ssyncset.done $0x0;
	(pc) =	sbr.rel @p1 .LBB2_2-.Ltmp0, $4  }
0x4c: {  	s0 =	sadd.s32 $0x2880, s0;
	[sflag:s25] =	ssyncadd.s32 $0xFFFFE000  }
0x4d: {  	[spmem:s3] =	stream.indirect.scatter.add.f32 [tilespmem:s23], [sflag:$0x3], $0x40, s0, s21, $0xb8;
	[tilespmem:$0x1CC00] =	vst v63  }
0x4e: {  	_ =	swait.ge [sflag:s17], $0x2000  }
0x4f: {  	s6 =	smov.u32 s9;
	s0 =	sshra.s32 s8, $0x2;
	[sflag:s17] =	ssyncset.done $0x0  }
0x50: {  	s6 =	sadd.s32 $0x80, s0;
	[sflag:s17] =	ssyncadd.s32 $0xFFFFE000  }
0x51: {  	[tilespmem:s23], [sflag:$0x2] =	stream.indirect.gather [spmem:s2], $0x40, s6, s21, $0xb8;
	[tilespmem:$0x1CC00] =	vst v63  }
0x52: {  	_ =	swait.ge [sflag:s24], $0x2000  }
0x53: {  	[sflag:s24] =	ssyncset.done $0x0  }
0x54: {  	s7 =	sadd.s32 $0x2800, s0;
	[sflag:s24] =	ssyncadd.s32 $0xFFFFE000  }
0x55: {  	[spmem:s3] =	stream.indirect.scatter.add.f32 [tilespmem:s22], [sflag:$0x3], $0x40, s7, s21, $0xb8;
	[tilespmem:$0x1CC00] =	vst v63  }
0x56: {  	_ =	swait.ge [sflag:s17], $0x2000  }
0x57: {  	[sflag:s17] =	ssyncset.done $0x0  }
0x58: {  	s8 =	sadd.s32 $0x100, s0;
	[sflag:s17] =	ssyncadd.s32 $0xFFFFE000  }
0x59: {  	[tilespmem:s22], [sflag:$0x1] =	stream.indirect.gather [spmem:s2], $0x40, s8, s21, $0xb8;
	[tilespmem:$0x1CC00] =	vst v63  }
0x5a: {  	_ =	swait.ge [sflag:s25], $0x2000  }
0x5b: {  	[sflag:s25] =	ssyncset.done $0x0  }
0x5c: {  	s9 =	sadd.s32 $0x2880, s0;
	[sflag:s25] =	ssyncadd.s32 $0xFFFFE000  }
0x5d: {  	[spmem:s3] =	stream.indirect.scatter.add.f32 [tilespmem:s23], [sflag:$0x3], $0x40, s9, s21, $0xb8;
	[tilespmem:$0x1CC00] =	vst v63  }
0x5e: {  	_ =	swait.ge [sflag:s17], $0x2000  }
0x5f: {  	[sflag:s17] =	ssyncset.done $0x0  }
0x60: {  	[sflag:s17] =	ssyncadd.s32 $0xFFFFE000  }
0x61: {  	[tilespmem:s23], [sflag:$0x2] =	stream.indirect.gather [spmem:s2], $0x40, s26, s21, $0xb8;
	[tilespmem:$0x1CC00] =	vst v63  }
0x62: {  	_ =	swait.ge [sflag:s24], $0x2000  }
0x63: {  	[sflag:s24] =	ssyncset.done $0x0  }
0x64: {  	[sflag:s24] =	ssyncadd.s32 $0xFFFFE000  }
0x65: {  	[spmem:s3] =	stream.indirect.scatter.add.f32 [tilespmem:s22], [sflag:$0x3], $0x40, s28, s21, $0xb8;
	[tilespmem:$0x1CC00] =	vst v63  }
0x66: {  	_ =	swait.ge [sflag:s17], $0x2000  }
0x67: {  	[sflag:s17] =	ssyncset.done $0x0  }
0x68: {  	[sflag:s17] =	ssyncadd.s32 $0xFFFFE000  }
0x69: {  	_ =	swait.ge [sflag:s25], $0x2000  }
0x6a: {  	[sflag:s25] =	ssyncset.done $0x0  }
0x6b: {  	[sflag:s25] =	ssyncadd.s32 $0xFFFFE000  }
0x6c: {  	[spmem:s3] =	stream.indirect.scatter.add.f32 [tilespmem:s23], [sflag:$0x3], $0x40, s29, s21, $0xb8;
	[tilespmem:$0x1CC00] =	vst v63  }
0x6d: {  	_ =	swait.ge [sflag:s17], $0x2000  }
0x6e: {  	[sflag:s17] =	ssyncset.done $0x0  }
0x6f: {  	[sflag:s17] =	ssyncadd.s32 $0xFFFFE000  }
0x70: {  	[bflag:$0x0] =	sbarrier.arrive $0xFFFF  }
0x71: {  	[hbm:s12], [sflag:s31] =	dma.local [spmem:s1], $0x13C0  }
0x72: {  	_ =	swait.ge [sflag:s17], $0x13C0  }
0x73: {  	[sflag:s17] =	ssyncset.done $0x0  }
0x74: {  	[sflag:s17] =	ssyncadd.s32 $0xFFFFEC40  }
0x75: {  	s0 =	simm.s32 @p0 $0x3;
	[bflag:$0x0] =	sbarrier.arrive $0xFFFF  }
0x76: {  	[spmem:s19], [sflag:s31] =	dma.local @p0 [hbm:s14], $0x1040  }
0x77: {  	_ =	swait.ge @p0 [sflag:s0], $0x1040  }
0x78: {  	[sflag:s0] =	ssyncset.done @p0 $0x0  }
0x79: {  	[sflag:s0] =	ssyncadd.s32 @p0 $0xFFFFEFC0;
	s0 =	simm.s32 @!p0 $0x3  }
0x7a: {  	[spmem:s18], [sflag:s31] =	dma.local @!p0 [hbm:s13], $0x13C0  }
0x7b: {  	_ =	swait.ge @!p0 [sflag:s0], $0x13C0  }
0x7c: {  	[sflag:s0] =	ssyncset.done @!p0 $0x0  }
0x7d: {  	[sflag:s0] =	ssyncadd.s32 @!p0 $0xFFFFEC40  }
0x7e: {  	[spmem:s1], [sflag:s31] =	dma.local [hbm:s5], $0x13C0  }
0x7f: {  	_ =	swait.ge [sflag:s17], $0x13C0  }
0x80: {  	[sflag:s17] =	ssyncset.done $0x0  }
0x81: {  	[sflag:s17] =	ssyncadd.s32 $0xFFFFEC40  }
0x82: {  	s6 =	simm.s32 $0x0;
	[bflag:$0x0] =	sbarrier.arrive $0xFFFF  }
0x83: {  	[tilespmem:s22], [sflag:$0x1] =	stream.indirect.gather [spmem:s2], $0x40, s6, s21, $0xb8;
	[tilespmem:$0x1CC00] =	vst v63  }
0x84: {  	s7 =	simm.s32 $0x80  }
0x85: {  	[tilespmem:s23], [sflag:$0x2] =	stream.indirect.gather [spmem:s2], $0x40, s7, s21, $0xb8;
	[tilespmem:$0x1CC00] =	vst v63  }
0x86: {  	_ =	swait.ge [sflag:s24], $0x2000  }
0x87: {  	[sflag:s24] =	ssyncset.done $0x0  }
0x88: {  	s8 =	simm.s32 $0x2800;
	[sflag:s24] =	ssyncadd.s32 $0xFFFFE000  }
0x89: {  	[spmem:s3] =	stream.indirect.scatter.add.f32 [tilespmem:s22], [sflag:$0x3], $0x40, s8, s21, $0xb8;
	[tilespmem:$0x1CC00] =	vst v63  }
0x8a: {  	_ =	swait.ge [sflag:s17], $0x2000  }
0x8b: {  	[sflag:s17] =	ssyncset.done $0x0  }
0x8c: {  	s9 =	simm.s32 $0x100;
	[sflag:s17] =	ssyncadd.s32 $0xFFFFE000  }
0x8d: {  	[tilespmem:s22], [sflag:$0x1] =	stream.indirect.gather [spmem:s2], $0x40, s9, s21, $0xb8;
	[tilespmem:$0x1CC00] =	vst v63  }
0x8e: {  	_ =	swait.ge [sflag:s25], $0x2000  }
0x8f: {  	[sflag:s25] =	ssyncset.done $0x0  }
0x90: {  	s18 =	simm.s32 $0x2880;
	[sflag:s25] =	ssyncadd.s32 $0xFFFFE000  }
0x91: {  	[spmem:s3] =	stream.indirect.scatter.add.f32 [tilespmem:s23], [sflag:$0x3], $0x40, s18, s21, $0xb8;
	[tilespmem:$0x1CC00] =	vst v63  }
0x92: {  	_ =	swait.ge [sflag:s17], $0x2000  }
0x93: {  	s0 =	simm.s32 $0x100;
	s6 =	simm.s32 $0x800;
	[sflag:s17] =	ssyncset.done $0x0  }
.LBB2_4:
0x94: {  	s7 =	sadd.s32 $0x80, s0  }
0x95: {  	[sflag:s17] =	ssyncadd.s32 $0xFFFFE000;
	s8 =	smov.u32 s6;
	s9 =	sadd.s32 $0x400, s6  }
0x96: {  	[tilespmem:s23], [sflag:$0x2] =	stream.indirect.gather [spmem:s2], $0x40, s7, s21, $0xb8;
	[tilespmem:$0x1CC00] =	vst v63  }
0x97: {  	p1 =	sne.s32 s6, $0x9800;
	_ =	swait.ge [sflag:s24], $0x2000  }
0x98: {  	[sflag:s24] =	ssyncset.done $0x0  }
0x99: {  	s6 =	sadd.s32 $0x2800, s0;
	[sflag:s24] =	ssyncadd.s32 $0xFFFFE000  }
0x9a: {  	[spmem:s3] =	stream.indirect.scatter.add.f32 [tilespmem:s22], [sflag:$0x3], $0x40, s6, s21, $0xb8;
	[tilespmem:$0x1CC00] =	vst v63  }
0x9b: {  	_ =	swait.ge [sflag:s17], $0x2000  }
0x9c: {  	[sflag:s17] =	ssyncset.done $0x0  }
0x9d: {  	s6 =	sadd.s32 $0x100, s0;
	[sflag:s17] =	ssyncadd.s32 $0xFFFFE000  }
0x9e: {  	[tilespmem:s22], [sflag:$0x1] =	stream.indirect.gather [spmem:s2], $0x40, s6, s21, $0xb8;
	[tilespmem:$0x1CC00] =	vst v63  }
0x9f: {  	_ =	swait.ge [sflag:s25], $0x2000  }
.Ltmp1:
0xa0: {  	[sflag:s25] =	ssyncset.done $0x0;
	(pc) =	sbr.rel @p1 .LBB2_4-.Ltmp1, $4  }
0xa1: {  	s0 =	sadd.s32 $0x2880, s0;
	[sflag:s25] =	ssyncadd.s32 $0xFFFFE000  }
0xa2: {  	[spmem:s3] =	stream.indirect.scatter.add.f32 [tilespmem:s23], [sflag:$0x3], $0x40, s0, s21, $0xb8;
	[tilespmem:$0x1CC00] =	vst v63  }
0xa3: {  	_ =	swait.ge [sflag:s17], $0x2000  }
0xa4: {  	s6 =	smov.u32 s9;
	s0 =	sshra.s32 s8, $0x2;
	[sflag:s17] =	ssyncset.done $0x0  }
0xa5: {  	s6 =	sadd.s32 $0x80, s0;
	[sflag:s17] =	ssyncadd.s32 $0xFFFFE000  }
0xa6: {  	[tilespmem:s23], [sflag:$0x2] =	stream.indirect.gather [spmem:s2], $0x40, s6, s21, $0xb8;
	[tilespmem:$0x1CC00] =	vst v63  }
0xa7: {  	_ =	swait.ge [sflag:s24], $0x2000  }
0xa8: {  	[sflag:s24] =	ssyncset.done $0x0  }
0xa9: {  	s8 =	sadd.s32 $0x2800, s0;
	[sflag:s24] =	ssyncadd.s32 $0xFFFFE000  }
0xaa: {  	[spmem:s3] =	stream.indirect.scatter.add.f32 [tilespmem:s22], [sflag:$0x3], $0x40, s8, s21, $0xb8;
	[tilespmem:$0x1CC00] =	vst v63  }
0xab: {  	_ =	swait.ge [sflag:s17], $0x2000  }
0xac: {  	[sflag:s17] =	ssyncset.done $0x0  }
0xad: {  	s9 =	sadd.s32 $0x100, s0;
	[sflag:s17] =	ssyncadd.s32 $0xFFFFE000  }
0xae: {  	[tilespmem:s22], [sflag:$0x1] =	stream.indirect.gather [spmem:s2], $0x40, s9, s21, $0xb8;
	[tilespmem:$0x1CC00] =	vst v63  }
0xaf: {  	_ =	swait.ge [sflag:s25], $0x2000  }
0xb0: {  	[sflag:s25] =	ssyncset.done $0x0  }
0xb1: {  	s18 =	sadd.s32 $0x2880, s0;
	[sflag:s25] =	ssyncadd.s32 $0xFFFFE000  }
0xb2: {  	[spmem:s3] =	stream.indirect.scatter.add.f32 [tilespmem:s23], [sflag:$0x3], $0x40, s18, s21, $0xb8;
	[tilespmem:$0x1CC00] =	vst v63  }
0xb3: {  	_ =	swait.ge [sflag:s17], $0x2000  }
0xb4: {  	[sflag:s17] =	ssyncset.done $0x0  }
0xb5: {  	[sflag:s17] =	ssyncadd.s32 $0xFFFFE000  }
0xb6: {  	[tilespmem:s23], [sflag:$0x2] =	stream.indirect.gather [spmem:s2], $0x40, s26, s21, $0xb8;
	[tilespmem:$0x1CC00] =	vst v63  }
0xb7: {  	_ =	swait.ge [sflag:s24], $0x2000  }
0xb8: {  	[sflag:s24] =	ssyncset.done $0x0  }
0xb9: {  	[sflag:s24] =	ssyncadd.s32 $0xFFFFE000  }
0xba: {  	[spmem:s3] =	stream.indirect.scatter.add.f32 [tilespmem:s22], [sflag:$0x3], $0x40, s28, s21, $0xb8;
	[tilespmem:$0x1CC00] =	vst v63  }
0xbb: {  	_ =	swait.ge [sflag:s17], $0x2000  }
0xbc: {  	[sflag:s17] =	ssyncset.done $0x0  }
0xbd: {  	[sflag:s17] =	ssyncadd.s32 $0xFFFFE000  }
0xbe: {  	_ =	swait.ge [sflag:s25], $0x2000  }
0xbf: {  	[sflag:s25] =	ssyncset.done $0x0  }
0xc0: {  	[sflag:s25] =	ssyncadd.s32 $0xFFFFE000  }
0xc1: {  	[spmem:s3] =	stream.indirect.scatter.add.f32 [tilespmem:s23], [sflag:$0x3], $0x40, s29, s21, $0xb8;
	[tilespmem:$0x1CC00] =	vst v63  }
0xc2: {  	_ =	swait.ge [sflag:s17], $0x2000  }
0xc3: {  	[sflag:s17] =	ssyncset.done $0x0  }
0xc4: {  	s30 =	sadd.s32 $0x1, s30;
	[sflag:s17] =	ssyncadd.s32 $0xFFFFE000  }
0xc5: {  	p1 =	sne.s32 s30, s16;
	[bflag:$0x0] =	sbarrier.arrive $0xFFFF  }
0xc6: {  	[hbm:s15], [sflag:s31] =	dma.local [spmem:s1], $0x13C0  }
.Ltmp2:
0xc7: {  	_ =	swait.ge [sflag:s17], $0x13C0;
	(pc) =	sbr.rel @p1 .LBB2_1-.Ltmp2, $3  }
0xc8: {  	[sflag:s17] =	ssyncset.done $0x0  }
0xc9: {  	[sflag:s17] =	ssyncadd.s32 $0xFFFFEC40  }
0xca: {  	[bflag:$0x0] =	sbarrier.arrive $0xFFFF;
	_ =	sdelay $0x1  }
0xcb: {  	_ =	sfence.sel $0x180000  }
0xcc: {  	[bflag:$0x0] =	sbarrier.arrive $0xFFFF  }
0xcd: {  	_ =	strace $0x90000047  }
0xce: {  	s0 =	stileid.u32;
	[bflag:$0x2] =	sbarrier.arrive $0xFFFF  }
0xcf: {  	p0 =	sne.s32 s0, $0x0;
	s0 =	rddreg [dreg:$0x5]  }
0xd0: {  	s0 =	sadd.s32 @!p0 $0x100000, s0  }
0xd1: {  	[sflag:s0] =	ssyncadd.tile.s32 @!p0 $0x1;
	_ =	shalt  }
.Lfunc_end2:
_tile_overlayer_lowered:
.L_overlay_start_2:
0xd2: {  	(tag) =	ssettag $0x2  }
0xd3: {  	s0 =	rddreg [dreg:$0x0];
	s2 =	stileid.u32  }
0xd4: {  	s1 =	rddreg [dreg:$0x1];
	p0 =	sne.s32 s2, $0x0  }
0xd5: {  	s3 =	rddreg [dreg:$0x2];
	[bflag:$0x3] =	sbarrier.arrive $0xFFFF;
	s2 =	simm.s32 @!p0 $0x1C03  }
0xd6: {  	[timem:s3], [sflag:s2] =	dma.local @!p0 [hbm:s0], s1  }
0xd7: {  	s0 =	simm.s32 @!p0 $0x3  }
0xd8: {  	_ =	swait.ge @!p0 [sflag:s0], s1  }
0xd9: {  	s1 =	ssub.s32 @!p0 $0x0, s1;
	[sflag:s0] =	ssyncset.done @!p0 $0x0  }
0xda: {  	[sflag:s0] =	ssyncadd.s32 @!p0 s1  }
0xdb: {  	[bflag:$0x3] =	sbarrier.arrive $0xFFFF  }
0xdc: {  	_ =	shalt  }

// kernel: kernel.14.cloned.1.call-start
scs
__scs_entry_jumppad:
0x0: {  	(pc) =	sbr.rel $0x88, $3  }
0x1: {  	(tag) =	ssettag $0x0;
	lr =	simm.s32 $0x1  }
0x2: {  	[smem:$0x3F99] =	sst lr;
	_ =	strace $0xD0000000  }
0x3: {  	_ = 	snop  }
0x4: {  	_ = 	snop  }
0x5: {  	_ = 	snop  }
0x6: {  	_ = 	snop  }
0x7: {  	_ = 	snop  }
__scs_overlays_trampoline_lowered:
0x8: {  	[smem:$0x3FA8] =	sst s0  }
0x9: {  	[smem:$0x3FA9] =	sst s1  }
0xa: {  	[smem:$0x3FAA] =	sst s2  }
0xb: {  	[smem:$0x3FAB] =	sst s3  }
0xc: {  	[smem:$0x3FAC] =	sst s4  }
0xd: {  	[smem:$0x3FAD] =	sst s5  }
0xe: {  	[smem:$0x3FAE] =	sst s6  }
0xf: {  	[smem:$0x3FAF] =	sst s7  }
0x10: {  	[smem:$0x3FB0] =	sst s8  }
0x11: {  	[smem:$0x3FB1] =	sst s9;
	s0 =	simm.s32 @!p0 $0x0  }
0x12: {  	s1 =	sld [smem:$0x3F97];
	s0 =	simm.s32 @p0 $0x1  }
0x13: {  	[smem:$0x3FB2] =	sst s0;
	s0 =	simm.s32 @!p1 $0x0  }
0x14: {  	s2 =	sld [smem:$0x3F96];
	s0 =	simm.s32 @p1 $0x1  }
0x15: {  	[smem:$0x3FB3] =	sst s0;
	s0 =	simm.s32 @!p2 $0x0  }
0x16: {  	s3 =	sld [smem:$0x3FDB];
	s0 =	simm.s32 @p2 $0x1  }
0x17: {  	s4 =	simm.s32 $0x1BF5;
	[smem:$0x3FB5] =	sst s0  }
0x18: {  	s0 =	sld [smem:$0x3F98];
	_ =	swait.ge [sflag:s4], $0x0  }
0x19: {  	s7 =	sld [smem:$0x3F99]  }
0x1a: {  	s8 =	sadd.s32 $0xFFFFE003, lr  }
0x1b: {  	s9 =	sadd.s32 $0xFFFFFEF7, lr;
	s5 =	simm.s32 $0xFFFFFFFF;
	p2 =	slt.u32 s8, $0xFFFFF086  }
0x1c: {  	p1 =	slt.u32 s9, $0xF7A;
	s5 =	simm.s32 @!p2 $0x0  }
0x1d: {  	s5 =	simm.s32 @p1 $0x1;
	p0 =	seq.s32 s7, s2  }
0x1e: {  	s7 =	smul.u32 @!p0 $0xF7A, s2;
	p2 =	seq.s32 @!p0 s5, $0x0  }
0x1f: {  	s9 =	smul.u32 $0xF7A, s1;
	s8 =	simm.s32 @!p0 $0x1BF5;
	p2 =	por !p2, p0  }
0x20: {  	[sflag:s8] =	ssyncset.s32 @!p0 $0xFFFFF086;
	s6 =	sadd.s32 @!p0 s3, s7;
	s7 =	simm.s32 @!p0 $0x108  }
0x21: {  	s3 =	sadd.s32 s3, s9;
	s6 =	sadd.s32 @!p0 $0x88, s6;
	s7 =	simm.s32 @p2 $0x1082  }
0x22: {  	[simem:s7], [sflag:s8] =	dma.local @!p0 [hbm:s6], $0xF7A  }
0x23: {  	s9 =	sor.u32 $0xD0000000, s2;
	s6 =	simm.s32 $0x108;
	_ =	swait.ge @!p0 [sflag:s8], $0x0  }
0x24: {  	s3 =	sadd.s32 $0x88, s3;
	s6 =	simm.s32 @!p1 $0x1082;
	[sflag:s4] =	ssyncset.s32 $0xFFFFF086  }
0x25: {  	[simem:s6], [sflag:s4] =	dma.local [hbm:s3], $0xF7A  }
0x26: {  	[smem:$0x3F99] =	sst s1;
	(tag) =	ssettag s2;
	_ =	strace s9  }
0x27: {  	s1 =	sld [smem:$0x3FA9]  }
0x28: {  	s2 =	sld [smem:$0x3FAA]  }
0x29: {  	s4 =	sld [smem:$0x3FAC]  }
0x2a: {  	p0 =	seq.s32 s5, $0x0;
	s5 =	sld [smem:$0x3FAD]  }
0x2b: {  	s6 =	sld [smem:$0x3FAE]  }
0x2c: {  	s7 =	sld [smem:$0x3FAF]  }
0x2d: {  	s3 =	simm.s32 $0x108;
	s8 =	sld [smem:$0x3FB0]  }
0x2e: {  	s3 =	simm.s32 @!p0 $0x1082;
	s9 =	sld [smem:$0x3FB1]  }
0x2f: {  	lr =	sadd.s32 s0, s3;
	s0 =	sld [smem:$0x3FA8]  }
0x30: {  	s3 =	sld [smem:$0x3FAB]  }
0x31: {  	[smem:$0x3FB4] =	sst s10  }
0x32: {  	s10 =	sld [smem:$0x3FB2];
	_ =	sdelay $0x3  }
0x33: {  	p0 =	seq.s32 s10, $0x1;
	s10 =	sld [smem:$0x3FB4];
	_ =	sdelay $0x3  }
0x34: {  	[smem:$0x3FB4] =	sst s10  }
0x35: {  	s10 =	sld [smem:$0x3FB3];
	_ =	sdelay $0x3  }
0x36: {  	p1 =	seq.s32 s10, $0x1;
	s10 =	sld [smem:$0x3FB4];
	_ =	sdelay $0x3  }
0x37: {  	[smem:$0x3FB4] =	sst s10  }
0x38: {  	s10 =	sld [smem:$0x3FB5]  }
0x39: {  	_ = 	snop;
	(pc) =	sbr.ind lr, $3  }
0x3a: {  	_ = 	snop  }
0x3b: {  	_ = 	snop  }
0x3c: {  	p2 =	seq.s32 s10, $0x1;
	s10 =	sld [smem:$0x3FB4]  }
0x3d: {  	_ =	shalt  }
0x3e: {  	_ =	shalt  }
0x3f: {  	_ =	shalt  }
0x40: {  	_ =	shalt  }
0x41: {  	_ =	shalt  }
0x42: {  	_ =	shalt  }
0x43: {  	_ =	shalt  }
0x44: {  	_ =	shalt  }
0x45: {  	_ =	shalt  }
0x46: {  	_ =	shalt  }
0x47: {  	_ =	shalt  }
0x48: {  	_ =	shalt  }
0x49: {  	_ =	shalt  }
0x4a: {  	_ =	shalt  }
0x4b: {  	_ =	shalt  }
0x4c: {  	_ =	shalt  }
0x4d: {  	_ =	shalt  }
0x4e: {  	_ =	shalt  }
0x4f: {  	_ =	shalt  }
0x50: {  	_ =	shalt  }
0x51: {  	_ =	shalt  }
0x52: {  	_ =	shalt  }
0x53: {  	_ =	shalt  }
0x54: {  	_ =	shalt  }
0x55: {  	_ =	shalt  }
0x56: {  	_ =	shalt  }
0x57: {  	_ =	shalt  }
0x58: {  	_ =	shalt  }
0x59: {  	_ =	shalt  }
0x5a: {  	_ =	shalt  }
0x5b: {  	_ =	shalt  }
0x5c: {  	_ =	shalt  }
0x5d: {  	_ =	shalt  }
0x5e: {  	_ =	shalt  }
0x5f: {  	_ =	shalt  }
0x60: {  	_ =	shalt  }
0x61: {  	_ =	shalt  }
0x62: {  	_ =	shalt  }
0x63: {  	_ =	shalt  }
0x64: {  	_ =	shalt  }
0x65: {  	_ =	shalt  }
0x66: {  	_ =	shalt  }
0x67: {  	_ =	shalt  }
0x68: {  	_ =	shalt  }
0x69: {  	_ =	shalt  }
0x6a: {  	_ =	shalt  }
0x6b: {  	_ =	shalt  }
0x6c: {  	_ =	shalt  }
0x6d: {  	_ =	shalt  }
0x6e: {  	_ =	shalt  }
0x6f: {  	_ =	shalt  }
0x70: {  	_ =	shalt  }
0x71: {  	_ =	shalt  }
0x72: {  	_ =	shalt  }
0x73: {  	_ =	shalt  }
0x74: {  	_ =	shalt  }
0x75: {  	_ =	shalt  }
0x76: {  	_ =	shalt  }
0x77: {  	_ =	shalt  }
0x78: {  	_ =	shalt  }
0x79: {  	_ =	shalt  }
0x7a: {  	_ =	shalt  }
0x7b: {  	_ =	shalt  }
0x7c: {  	_ =	shalt  }
0x7d: {  	_ =	shalt  }
0x7e: {  	_ =	shalt  }
0x7f: {  	_ =	shalt  }
0x80: {  	_ =	shalt  }
0x81: {  	_ =	shalt  }
0x82: {  	_ =	shalt  }
0x83: {  	_ =	shalt  }
0x84: {  	_ =	shalt  }
0x85: {  	_ =	shalt  }
0x86: {  	_ =	shalt  }
0x87: {  	_ =	shalt  }
.Lfunc_end0:
.L_simem_size_0:
called_computation.2_lowered:
.L_overlay_start_0:
0x88: {  	s2 =	sld [smem:$0x3FD9]  }
0x89: {  	s3 =	sld [smem:$0x3FFE];
	_ =	sdelay $0x1  }
0x8a: {  	s1 =	srdreg.scid  }
0x8b: {  	s0 =	sand.u32 $0x1, s1  }
0x8c: {  	s14 =	sshll.u32 s0, $0xA;
	s2 =	sadd.s32 s3, s2  }
0x8d: {  	s2 =	sadd.s32 s2, s14  }
0x8e: {  	[smem:$0x3FC0] =	sst s2  }
0x8f: {  	_ = 	snop  }
0x90: {  	s2 =	sld [smem:$0x3FD0];
	_ =	sdelay $0x2  }
0x91: {  	s15 =	simm.s32 $0xB;
	s4 =	simm.s32 $0x10  }
0x92: {  	[smem:s4], [sflag:s15] =	dma.local [hbm:s2], $0x1  }
0x93: {  	_ =	swait.eq [sflag:s15], $0x1  }
0x94: {  	[sflag:s15] =	ssyncset.done $0x0  }
0x95: {  	[sflag:s15] =	ssyncadd.s32 $0xFFFFFFFF  }
0x96: {  	s16 =	sld [smem:$0x11];
	(tm) =	ssettm $0x1  }
0x97: {  	s17 =	sld [smem:$0x3FFB];
	_ =	sdelay $0x3  }
0x98: {  	_ =	strace s17  }
0x99: {  	s3 =	sld [smem:$0x3FFC];
	_ =	sdelay $0x3  }
0x9a: {  	_ =	strace s3  }
0x9b: {  	s3 =	sld [smem:$0x3FFD];
	_ =	sdelay $0x3  }
0x9c: {  	_ =	strace s3  }
0x9d: {  	_ =	strace $0x8FFFFFFF  }
0x9e: {  	s18 =	sld [smem:$0x3FDB];
	_ =	sdelay $0x1  }
0x9f: {  	s19 =	simm.s32 $_scs_section_size  }
0xa0: {  	s5 =	simm.s32 $_size__tile_overlayer_lowered;
	s6 =	simm.s32 $_tile_overlayer_lowered  }
0xa1: {  	s22 =	simm.s32 $0x1BFF;
	s21 =	sshll.u32 s6, $0x1;
	s3 =	sadd.s32 s19, s18  }
0xa2: {  	s7 =	simm.s32 $0x0;
	s20 =	sshll.u32 s5, $0x1;
	s5 =	sadd.s32 s21, s3  }
0xa3: {  	[timem:s7], [sflag:s22] =	dma.local [hbm:s5], s20  }
0xa4: {  	_ =	swait.ge [sflag:s22], s20  }
0xa5: {  	s4 =	ssub.s32 $0x0, s20;
	[sflag:s22] =	ssyncset.done $0x0  }
0xa6: {  	[sflag:s22] =	ssyncadd.s32 s4;
	_ =	sdelay $0x1  }
0xa7: {  	s23 =	simm.s32 $0x1B8B  }
0xa8: {  	_ =	swait.ge [sflag:s23], $0x1  }
0xa9: {  	[sflag:s23] =	ssyncset.done $0x0  }
0xaa: {  	s25 =	simm.s32 $0x1B8E;
	s24 =	sld [smem:$0x3FFE];
	[sflag:s23] =	ssyncadd.s32 $0xFFFFFFFF  }
0xab: {  	s26 =	simm.s32 $execute0_lowered;
	[smem:$0x3FD2] =	sst s25  }
0xac: {  	s5 =	sshll.u32 s26, $0x1;
	_ =	strace $0x8000004C;
	[dreg:$0x1] =	wrdreg $0xFFFFFFFF  }
0xad: {  	s28 =	simm.s32 $_size_execute0_lowered;
	s3 =	sadd.s32 s3, s5;
	[dreg:$0x0] =	wrdreg $0x0  }
0xae: {  	s5 =	sshll.u32 s28, $0x1;
	[dreg:$0x2] =	wrdreg s3  }
0xaf: {  	[dreg:$0x3] =	wrdreg s5  }
0xb0: {  	[dreg:$0x4] =	wrdreg $0xC0  }
0xb1: {  	_ =	task [dreg:s7], $0x5FFFF  }
0xb2: {  	[dreg:$0x1] =	wrdreg $0xFFFFFFFF  }
0xb3: {  	[dreg:$0x0] =	wrdreg $0x60  }
0xb4: {  	[dreg:$0x2] =	wrdreg s16  }
0xb5: {  	[dreg:$0x3] =	wrdreg s24  }
0xb6: {  	[dreg:$0x4] =	wrdreg $0x90000  }
0xb7: {  	[dreg:$0x5] =	wrdreg $0x12E000  }
0xb8: {  	[dreg:$0x6] =	wrdreg $0x9  }
0xb9: {  	_ =	task.clear_ibuf [dreg:s7], $0x7FFFF;
	_ =	strace $0x9000004C  }
0xba: {  	s29 =	simm.s32 $0x9;
	_ =	strace $0x8000004E  }
0xbb: {  	_ =	swait.ge [sflag:s29], $0x1  }
0xbc: {  	[sflag:s29] =	ssyncadd.s32 $0xFFFFFFFF  }
0xbd: {  	_ =	strace $0x9000004E  }
0xbe: {  	_ =	sfence  }
0xbf: {  	s30 =	sld [smem:$0x0];
	_ =	sdelay $0x2  }
0xc0: {  	s31 =	sshll.u32 s1, $0xD;
	s1 =	sshrl.u32 s1, $0x2  }
0xc1: {  	s3 =	sand.u32 $0x4000, s31;
	s1 =	sadd.s32 s1, s30  }
0xc2: {  	s0 =	sor.u32 s3, s0;
	s1 =	sshll.u32 s1, $0x11  }
0xc3: {  	s0 =	sor.u32 s1, s0  }
0xc4: {  	s0 =	sadd.s32 $0x8F2B, s0  }
0xc5: {  	[sflag:s0] =	ssyncadd.remote.s32 $0x1  }
0xc6: {  	_ =	sfence.sel $0xFFFF  }
0xc7: {  	[dreg:$0x0] =	wrdreg $0xFFFFFFFF;
	(pc) =	sbr.abs _section_cstart, $3  }
0xc8: {  	[dreg:$0x1] =	wrdreg $0xFFFFFFFF  }
0xc9: {  	_ =	task.clear_ibuf [dreg:s7], $0x2FFFF;
	_ =	strace $0x9FFFFFFF  }
0xca: {  	(tm) =	ssettm $0x7FFFFFFF  }
0xcb: {  	_ =	shalt  }
tec
execute0_lowered:
.L_overlay_start_1:
0x0: {  	(tag) =	ssettag $0x1  }
0x1: {  	s9 =	rddreg [dreg:$0x0]  }
0x2: {  	s6 =	rddreg [dreg:$0x1]  }
0x3: {  	s2 =	rddreg [dreg:$0x2];
	s0 =	srdreg.scid  }
0x4: {  	s3 =	rddreg [dreg:$0x3];
	s1 =	stileid.u32;
	s4 =	simm.s32 $0x0  }
0x5: {  	s13 =	simm.s32 $0x2800;
	s19 =	simm.s32 $0x80;
	s20 =	simm.s32 $0x5000  }
0x6: {  	s21 =	simm.s32 $0x7000;
	s22 =	simm.s32 $0x1;
	s23 =	simm.s32 $0x2  }
0x7: {  	s24 =	simm.s32 $0x2780;
	s25 =	simm.s32 $0x4F00;
	s26 =	simm.s32 $0x4F80  }
0x8: {  	s28 =	simm.s32 $0x0;
	s5 =	sand.u32 $0x1, s0;
	s10 =	smul.u32 $0x9E00, s1  }
0x9: {  	[smem:$0x7FF] =	sst s4;
	s14 =	sadd.s32 $0x94200, s2;
	p0 =	seq.s32 s1, $0xF  }
0xa: {  	s17 =	sshll.u32 s1, $0x6;
	s7 =	sshll.u32 s5, $0x4;
	s8 =	smul.u32 $0x9E000, s5  }
0xb: {  	_ =	strace $0x8000004D;
	s11 =	ssub.s32 $0x2, s5;
	s5 =	sadd.s32 $0x15E00, s6  }
0xc: {  	s15 =	sshll.u32 @!p0 s1, $0x6;
	s14 =	sshrl.u32 @p0 s14, $0x3;
	s17 =	sor.u32 $0x1C03, s17  }
0xd: {  	s7 =	sor.u32 s1, s7;
	s30 =	sshrl.u32 s11, $0x1;
	s31 =	sshrl.u32 s10, $0x3  }
0xe: {  	s16 =	sadd.s32 s10, s2;
	s18 =	sadd.s32 s10, s3;
	s15 =	sor.u32 @!p0 $0x1C03, s15  }
0xf: {  	s7 =	smul.u32 $0x500, s7;
	s8 =	sadd.s32 s10, s8;
	s11 =	ssub.s32 s11, s30  }
0x10: {  	s16 =	sshrl.u32 @!p0 s16, $0x3;
	s18 =	sshrl.u32 s18, $0x3;
	s8 =	sshrl.u32 s8, $0x3  }
0x11: {  	s11 =	smax.u32 s11, $0x1;
	s7 =	sadd.s32 s7, s6;
	s12 =	sadd.s32 s8, s6  }
0x12: {  	s8 =	sadd.s32 s9, s31;
	s9 =	sadd.s32 $0x12840, s9;
	s6 =	sadd.s32 $0xBE00, s7  }
0x13: {  	s7 =	sadd.s32 $0x1E00, s7;
	s10 =	sadd.s32 $0x17200, s12;
	s12 =	simm.s32 $0x3  }
.LBB2_1:
0x14: {  	[tilespmem:s4], [sflag:$0x3] =	stream.linear.gather [hbm4b:s6+s4], $0x2800, $0x38;
	[tilespmem:$0x1CC00] =	vst v63  }
0x15: {  	_ =	swait.ge [sflag:s12], $0x2800  }
0x16: {  	[sflag:s12] =	ssyncset.done $0x0  }
0x17: {  	[sflag:s12] =	ssyncadd.s32 $0xFFFFD800  }
0x18: {  	[tilespmem:s13], [sflag:$0x3] =	stream.linear.gather [hbm4b:s7+s4], $0x2800, $0x38;
	[tilespmem:$0x1CC00] =	vst v63  }
0x19: {  	_ =	swait.ge [sflag:s12], $0x2800  }
0x1a: {  	[sflag:s12] =	ssyncset.done $0x0  }
0x1b: {  	s29 =	simm.s32 @p0 $0x1FC3;
	[sflag:s12] =	ssyncadd.s32 $0xFFFFD800  }
0x1c: {  	[spmem:s14], [sflag:s29] =	dma.local @p0 [hbm:s9], $0x1040  }
0x1d: {  	s29 =	simm.s32 @p0 $0x3  }
0x1e: {  	_ =	swait.ge @p0 [sflag:s29], $0x1040  }
0x1f: {  	[sflag:s29] =	ssyncset.done @p0 $0x0  }
0x20: {  	[sflag:s29] =	ssyncadd.s32 @p0 $0xFFFFEFC0;
	s29 =	simm.s32 @!p0 $0x3  }
0x21: {  	[spmem:s16], [sflag:s15] =	dma.local @!p0 [hbm:s8], $0x13C0  }
0x22: {  	_ =	swait.ge @!p0 [sflag:s29], $0x13C0  }
0x23: {  	[sflag:s29] =	ssyncset.done @!p0 $0x0  }
0x24: {  	[sflag:s29] =	ssyncadd.s32 @!p0 $0xFFFFEC40  }
0x25: {  	[spmem:s18], [sflag:s17] =	dma.local [hbm:s5], $0x13C0  }
0x26: {  	_ =	swait.ge [sflag:s12], $0x13C0  }
0x27: {  	[sflag:s12] =	ssyncset.done $0x0  }
0x28: {  	[sflag:s12] =	ssyncadd.s32 $0xFFFFEC40  }
0x29: {  	[bflag:$0x0] =	sbarrier.arrive $0xFFFF  }
0x2a: {  	[tilespmem:s20], [sflag:$0x1] =	stream.indirect.gather [spmem:s2], $0x40, s4, s19, $0xb8;
	[tilespmem:$0x1CC00] =	vst v63  }
0x2b: {  	s29 =	simm.s32 $0x80  }
0x2c: {  	[tilespmem:s21], [sflag:$0x2] =	stream.indirect.gather [spmem:s2], $0x40, s29, s19, $0xb8;
	[tilespmem:$0x1CC00] =	vst v63  }
0x2d: {  	_ =	swait.ge [sflag:s22], $0x2000  }
0x2e: {  	[sflag:s22] =	ssyncset.done $0x0  }
0x2f: {  	s29 =	simm.s32 $0x2800;
	[sflag:s22] =	ssyncadd.s32 $0xFFFFE000  }
0x30: {  	[spmem:s3] =	stream.indirect.scatter.add.f32 [tilespmem:s20], [sflag:$0x3], $0x40, s29, s19, $0xb8;
	[tilespmem:$0x1CC00] =	vst v63  }
0x31: {  	_ =	swait.ge [sflag:s12], $0x2000  }
0x32: {  	[sflag:s12] =	ssyncset.done $0x0  }
0x33: {  	s29 =	simm.s32 $0x100;
	[sflag:s12] =	ssyncadd.s32 $0xFFFFE000  }
0x34: {  	[tilespmem:s20], [sflag:$0x1] =	stream.indirect.gather [spmem:s2], $0x40, s29, s19, $0xb8;
	[tilespmem:$0x1CC00] =	vst v63  }
0x35: {  	_ =	swait.ge [sflag:s23], $0x2000  }
0x36: {  	[sflag:s23] =	ssyncset.done $0x0  }
0x37: {  	s29 =	simm.s32 $0x2880;
	[sflag:s23] =	ssyncadd.s32 $0xFFFFE000  }
0x38: {  	[spmem:s3] =	stream.indirect.scatter.add.f32 [tilespmem:s21], [sflag:$0x3], $0x40, s29, s19, $0xb8;
	[tilespmem:$0x1CC00] =	vst v63  }
0x39: {  	_ =	swait.ge [sflag:s12], $0x2000  }
0x3a: {  	s30 =	simm.s32 $0x800;
	s29 =	simm.s32 $0x100;
	[sflag:s12] =	ssyncset.done $0x0  }
.LBB2_2:
0x3b: {  	s31 =	sadd.s32 $0x80, s29  }
0x3c: {  	[sflag:s12] =	ssyncadd.s32 $0xFFFFE000;
	s0 =	smov.u32 s30;
	s1 =	sadd.s32 $0x400, s30  }
0x3d: {  	[tilespmem:s21], [sflag:$0x2] =	stream.indirect.gather [spmem:s2], $0x40, s31, s19, $0xb8;
	[tilespmem:$0x1CC00] =	vst v63  }
0x3e: {  	p1 =	sne.s32 s30, $0x9800;
	_ =	swait.ge [sflag:s22], $0x2000  }
0x3f: {  	[sflag:s22] =	ssyncset.done $0x0  }
0x40: {  	s30 =	sadd.s32 $0x2800, s29;
	[sflag:s22] =	ssyncadd.s32 $0xFFFFE000  }
0x41: {  	[spmem:s3] =	stream.indirect.scatter.add.f32 [tilespmem:s20], [sflag:$0x3], $0x40, s30, s19, $0xb8;
	[tilespmem:$0x1CC00] =	vst v63  }
0x42: {  	_ =	swait.ge [sflag:s12], $0x2000  }
0x43: {  	[sflag:s12] =	ssyncset.done $0x0  }
0x44: {  	s30 =	sadd.s32 $0x100, s29;
	[sflag:s12] =	ssyncadd.s32 $0xFFFFE000  }
0x45: {  	[tilespmem:s20], [sflag:$0x1] =	stream.indirect.gather [spmem:s2], $0x40, s30, s19, $0xb8;
	[tilespmem:$0x1CC00] =	vst v63  }
0x46: {  	_ =	swait.ge [sflag:s23], $0x2000  }
.Ltmp0:
0x47: {  	[sflag:s23] =	ssyncset.done $0x0;
	(pc) =	sbr.rel @p1 .LBB2_2-.Ltmp0, $4  }
0x48: {  	s29 =	sadd.s32 $0x2880, s29;
	[sflag:s23] =	ssyncadd.s32 $0xFFFFE000  }
0x49: {  	[spmem:s3] =	stream.indirect.scatter.add.f32 [tilespmem:s21], [sflag:$0x3], $0x40, s29, s19, $0xb8;
	[tilespmem:$0x1CC00] =	vst v63  }
0x4a: {  	_ =	swait.ge [sflag:s12], $0x2000  }
0x4b: {  	s30 =	smov.u32 s1;
	s29 =	sshra.s32 s0, $0x2;
	[sflag:s12] =	ssyncset.done $0x0  }
0x4c: {  	s0 =	sadd.s32 $0x80, s29;
	[sflag:s12] =	ssyncadd.s32 $0xFFFFE000  }
0x4d: {  	[tilespmem:s21], [sflag:$0x2] =	stream.indirect.gather [spmem:s2], $0x40, s0, s19, $0xb8;
	[tilespmem:$0x1CC00] =	vst v63  }
0x4e: {  	_ =	swait.ge [sflag:s22], $0x2000  }
0x4f: {  	[sflag:s22] =	ssyncset.done $0x0  }
0x50: {  	s1 =	sadd.s32 $0x2800, s29;
	[sflag:s22] =	ssyncadd.s32 $0xFFFFE000  }
0x51: {  	[spmem:s3] =	stream.indirect.scatter.add.f32 [tilespmem:s20], [sflag:$0x3], $0x40, s1, s19, $0xb8;
	[tilespmem:$0x1CC00] =	vst v63  }
0x52: {  	_ =	swait.ge [sflag:s12], $0x2000  }
0x53: {  	[sflag:s12] =	ssyncset.done $0x0  }
0x54: {  	s30 =	sadd.s32 $0x100, s29;
	[sflag:s12] =	ssyncadd.s32 $0xFFFFE000  }
0x55: {  	[tilespmem:s20], [sflag:$0x1] =	stream.indirect.gather [spmem:s2], $0x40, s30, s19, $0xb8;
	[tilespmem:$0x1CC00] =	vst v63  }
0x56: {  	_ =	swait.ge [sflag:s23], $0x2000  }
0x57: {  	[sflag:s23] =	ssyncset.done $0x0  }
0x58: {  	s31 =	sadd.s32 $0x2880, s29;
	[sflag:s23] =	ssyncadd.s32 $0xFFFFE000  }
0x59: {  	[spmem:s3] =	stream.indirect.scatter.add.f32 [tilespmem:s21], [sflag:$0x3], $0x40, s31, s19, $0xb8;
	[tilespmem:$0x1CC00] =	vst v63  }
0x5a: {  	_ =	swait.ge [sflag:s12], $0x2000  }
0x5b: {  	[sflag:s12] =	ssyncset.done $0x0  }
0x5c: {  	[sflag:s12] =	ssyncadd.s32 $0xFFFFE000  }
0x5d: {  	[tilespmem:s21], [sflag:$0x2] =	stream.indirect.gather [spmem:s2], $0x40, s24, s19, $0xb8;
	[tilespmem:$0x1CC00] =	vst v63  }
0x5e: {  	_ =	swait.ge [sflag:s22], $0x2000  }
0x5f: {  	[sflag:s22] =	ssyncset.done $0x0  }
0x60: {  	[sflag:s22] =	ssyncadd.s32 $0xFFFFE000  }
0x61: {  	[spmem:s3] =	stream.indirect.scatter.add.f32 [tilespmem:s20], [sflag:$0x3], $0x40, s25, s19, $0xb8;
	[tilespmem:$0x1CC00] =	vst v63  }
0x62: {  	_ =	swait.ge [sflag:s12], $0x2000  }
0x63: {  	[sflag:s12] =	ssyncset.done $0x0  }
0x64: {  	[sflag:s12] =	ssyncadd.s32 $0xFFFFE000  }
0x65: {  	_ =	swait.ge [sflag:s23], $0x2000  }
0x66: {  	[sflag:s23] =	ssyncset.done $0x0  }
0x67: {  	[sflag:s23] =	ssyncadd.s32 $0xFFFFE000  }
0x68: {  	[spmem:s3] =	stream.indirect.scatter.add.f32 [tilespmem:s21], [sflag:$0x3], $0x40, s26, s19, $0xb8;
	[tilespmem:$0x1CC00] =	vst v63  }
0x69: {  	_ =	swait.ge [sflag:s12], $0x2000  }
0x6a: {  	[sflag:s12] =	ssyncset.done $0x0  }
0x6b: {  	s28 =	sadd.s32 $0x1, s28;
	[sflag:s12] =	ssyncadd.s32 $0xFFFFE000  }
0x6c: {  	p1 =	sne.s32 s28, s11;
	[bflag:$0x0] =	sbarrier.arrive $0xFFFF  }
0x6d: {  	[hbm:s10], [sflag:s17] =	dma.local [spmem:s18], $0x13C0  }
.Ltmp1:
0x6e: {  	_ =	swait.ge [sflag:s12], $0x13C0;
	(pc) =	sbr.rel @p1 .LBB2_1-.Ltmp1, $3  }
0x6f: {  	[sflag:s12] =	ssyncset.done $0x0  }
0x70: {  	[sflag:s12] =	ssyncadd.s32 $0xFFFFEC40  }
0x71: {  	[bflag:$0x0] =	sbarrier.arrive $0xFFFF;
	_ =	sdelay $0x1  }
0x72: {  	_ =	sfence.sel $0x180000  }
0x73: {  	[bflag:$0x0] =	sbarrier.arrive $0xFFFF  }
0x74: {  	_ =	strace $0x9000004D  }
0x75: {  	s0 =	stileid.u32;
	[bflag:$0x2] =	sbarrier.arrive $0xFFFF  }
0x76: {  	p0 =	sne.s32 s0, $0x0;
	s0 =	rddreg [dreg:$0x4]  }
0x77: {  	s0 =	sadd.s32 @!p0 $0x100000, s0  }
0x78: {  	[sflag:s0] =	ssyncadd.tile.s32 @!p0 $0x1;
	_ =	shalt  }
.Lfunc_end2:
_tile_overlayer_lowered:
.L_overlay_start_2:
0x79: {  	(tag) =	ssettag $0x2  }
0x7a: {  	s0 =	rddreg [dreg:$0x0];
	s2 =	stileid.u32  }
0x7b: {  	s1 =	rddreg [dreg:$0x1];
	p0 =	sne.s32 s2, $0x0  }
0x7c: {  	s3 =	rddreg [dreg:$0x2];
	[bflag:$0x3] =	sbarrier.arrive $0xFFFF;
	s2 =	simm.s32 @!p0 $0x1C03  }
0x7d: {  	[timem:s3], [sflag:s2] =	dma.local @!p0 [hbm:s0], s1  }
0x7e: {  	s0 =	simm.s32 @!p0 $0x3  }
0x7f: {  	_ =	swait.ge @!p0 [sflag:s0], s1  }
0x80: {  	s1 =	ssub.s32 @!p0 $0x0, s1;
	[sflag:s0] =	ssyncset.done @!p0 $0x0  }
0x81: {  	[sflag:s0] =	ssyncadd.s32 @!p0 s1  }
0x82: {  	[bflag:$0x3] =	sbarrier.arrive $0xFFFF  }
0x83: {  	_ =	shalt  }

// kernel: kernel.8.cloned.1.call-start
scs
__scs_entry_jumppad:
0x0: {  	(pc) =	sbr.rel $0x88, $3  }
0x1: {  	(tag) =	ssettag $0x0;
	lr =	simm.s32 $0x1  }
0x2: {  	[smem:$0x3F99] =	sst lr;
	_ =	strace $0xD0000000  }
0x3: {  	_ = 	snop  }
0x4: {  	_ = 	snop  }
0x5: {  	_ = 	snop  }
0x6: {  	_ = 	snop  }
0x7: {  	_ = 	snop  }
__scs_overlays_trampoline_lowered:
0x8: {  	[smem:$0x3FA8] =	sst s0  }
0x9: {  	[smem:$0x3FA9] =	sst s1  }
0xa: {  	[smem:$0x3FAA] =	sst s2  }
0xb: {  	[smem:$0x3FAB] =	sst s3  }
0xc: {  	[smem:$0x3FAC] =	sst s4  }
0xd: {  	[smem:$0x3FAD] =	sst s5  }
0xe: {  	[smem:$0x3FAE] =	sst s6  }
0xf: {  	[smem:$0x3FAF] =	sst s7  }
0x10: {  	[smem:$0x3FB0] =	sst s8  }
0x11: {  	[smem:$0x3FB1] =	sst s9;
	s0 =	simm.s32 @!p0 $0x0  }
0x12: {  	s1 =	sld [smem:$0x3F97];
	s0 =	simm.s32 @p0 $0x1  }
0x13: {  	[smem:$0x3FB2] =	sst s0;
	s0 =	simm.s32 @!p1 $0x0  }
0x14: {  	s2 =	sld [smem:$0x3F96];
	s0 =	simm.s32 @p1 $0x1  }
0x15: {  	[smem:$0x3FB3] =	sst s0;
	s0 =	simm.s32 @!p2 $0x0  }
0x16: {  	s3 =	sld [smem:$0x3FDB];
	s0 =	simm.s32 @p2 $0x1  }
0x17: {  	s4 =	simm.s32 $0x1BF5;
	[smem:$0x3FB5] =	sst s0  }
0x18: {  	s0 =	sld [smem:$0x3F98];
	_ =	swait.ge [sflag:s4], $0x0  }
0x19: {  	s7 =	sld [smem:$0x3F99]  }
0x1a: {  	s8 =	sadd.s32 $0xFFFFE003, lr  }
0x1b: {  	s9 =	sadd.s32 $0xFFFFFEF7, lr;
	s5 =	simm.s32 $0xFFFFFFFF;
	p2 =	slt.u32 s8, $0xFFFFF086  }
0x1c: {  	p1 =	slt.u32 s9, $0xF7A;
	s5 =	simm.s32 @!p2 $0x0  }
0x1d: {  	s5 =	simm.s32 @p1 $0x1;
	p0 =	seq.s32 s7, s2  }
0x1e: {  	s7 =	smul.u32 @!p0 $0xF7A, s2;
	p2 =	seq.s32 @!p0 s5, $0x0  }
0x1f: {  	s9 =	smul.u32 $0xF7A, s1;
	s8 =	simm.s32 @!p0 $0x1BF5;
	p2 =	por !p2, p0  }
0x20: {  	[sflag:s8] =	ssyncset.s32 @!p0 $0xFFFFF086;
	s6 =	sadd.s32 @!p0 s3, s7;
	s7 =	simm.s32 @!p0 $0x108  }
0x21: {  	s3 =	sadd.s32 s3, s9;
	s6 =	sadd.s32 @!p0 $0x88, s6;
	s7 =	simm.s32 @p2 $0x1082  }
0x22: {  	[simem:s7], [sflag:s8] =	dma.local @!p0 [hbm:s6], $0xF7A  }
0x23: {  	s9 =	sor.u32 $0xD0000000, s2;
	s6 =	simm.s32 $0x108;
	_ =	swait.ge @!p0 [sflag:s8], $0x0  }
0x24: {  	s3 =	sadd.s32 $0x88, s3;
	s6 =	simm.s32 @!p1 $0x1082;
	[sflag:s4] =	ssyncset.s32 $0xFFFFF086  }
0x25: {  	[simem:s6], [sflag:s4] =	dma.local [hbm:s3], $0xF7A  }
0x26: {  	[smem:$0x3F99] =	sst s1;
	(tag) =	ssettag s2;
	_ =	strace s9  }
0x27: {  	s1 =	sld [smem:$0x3FA9]  }
0x28: {  	s2 =	sld [smem:$0x3FAA]  }
0x29: {  	s4 =	sld [smem:$0x3FAC]  }
0x2a: {  	p0 =	seq.s32 s5, $0x0;
	s5 =	sld [smem:$0x3FAD]  }
0x2b: {  	s6 =	sld [smem:$0x3FAE]  }
0x2c: {  	s7 =	sld [smem:$0x3FAF]  }
0x2d: {  	s3 =	simm.s32 $0x108;
	s8 =	sld [smem:$0x3FB0]  }
0x2e: {  	s3 =	simm.s32 @!p0 $0x1082;
	s9 =	sld [smem:$0x3FB1]  }
0x2f: {  	lr =	sadd.s32 s0, s3;
	s0 =	sld [smem:$0x3FA8]  }
0x30: {  	s3 =	sld [smem:$0x3FAB]  }
0x31: {  	[smem:$0x3FB4] =	sst s10  }
0x32: {  	s10 =	sld [smem:$0x3FB2];
	_ =	sdelay $0x3  }
0x33: {  	p0 =	seq.s32 s10, $0x1;
	s10 =	sld [smem:$0x3FB4];
	_ =	sdelay $0x3  }
0x34: {  	[smem:$0x3FB4] =	sst s10  }
0x35: {  	s10 =	sld [smem:$0x3FB3];
	_ =	sdelay $0x3  }
0x36: {  	p1 =	seq.s32 s10, $0x1;
	s10 =	sld [smem:$0x3FB4];
	_ =	sdelay $0x3  }
0x37: {  	[smem:$0x3FB4] =	sst s10  }
0x38: {  	s10 =	sld [smem:$0x3FB5]  }
0x39: {  	_ = 	snop;
	(pc) =	sbr.ind lr, $3  }
0x3a: {  	_ = 	snop  }
0x3b: {  	_ = 	snop  }
0x3c: {  	p2 =	seq.s32 s10, $0x1;
	s10 =	sld [smem:$0x3FB4]  }
0x3d: {  	_ =	shalt  }
0x3e: {  	_ =	shalt  }
0x3f: {  	_ =	shalt  }
0x40: {  	_ =	shalt  }
0x41: {  	_ =	shalt  }
0x42: {  	_ =	shalt  }
0x43: {  	_ =	shalt  }
0x44: {  	_ =	shalt  }
0x45: {  	_ =	shalt  }
0x46: {  	_ =	shalt  }
0x47: {  	_ =	shalt  }
0x48: {  	_ =	shalt  }
0x49: {  	_ =	shalt  }
0x4a: {  	_ =	shalt  }
0x4b: {  	_ =	shalt  }
0x4c: {  	_ =	shalt  }
0x4d: {  	_ =	shalt  }
0x4e: {  	_ =	shalt  }
0x4f: {  	_ =	shalt  }
0x50: {  	_ =	shalt  }
0x51: {  	_ =	shalt  }
0x52: {  	_ =	shalt  }
0x53: {  	_ =	shalt  }
0x54: {  	_ =	shalt  }
0x55: {  	_ =	shalt  }
0x56: {  	_ =	shalt  }
0x57: {  	_ =	shalt  }
0x58: {  	_ =	shalt  }
0x59: {  	_ =	shalt  }
0x5a: {  	_ =	shalt  }
0x5b: {  	_ =	shalt  }
0x5c: {  	_ =	shalt  }
0x5d: {  	_ =	shalt  }
0x5e: {  	_ =	shalt  }
0x5f: {  	_ =	shalt  }
0x60: {  	_ =	shalt  }
0x61: {  	_ =	shalt  }
0x62: {  	_ =	shalt  }
0x63: {  	_ =	shalt  }
0x64: {  	_ =	shalt  }
0x65: {  	_ =	shalt  }
0x66: {  	_ =	shalt  }
0x67: {  	_ =	shalt  }
0x68: {  	_ =	shalt  }
0x69: {  	_ =	shalt  }
0x6a: {  	_ =	shalt  }
0x6b: {  	_ =	shalt  }
0x6c: {  	_ =	shalt  }
0x6d: {  	_ =	shalt  }
0x6e: {  	_ =	shalt  }
0x6f: {  	_ =	shalt  }
0x70: {  	_ =	shalt  }
0x71: {  	_ =	shalt  }
0x72: {  	_ =	shalt  }
0x73: {  	_ =	shalt  }
0x74: {  	_ =	shalt  }
0x75: {  	_ =	shalt  }
0x76: {  	_ =	shalt  }
0x77: {  	_ =	shalt  }
0x78: {  	_ =	shalt  }
0x79: {  	_ =	shalt  }
0x7a: {  	_ =	shalt  }
0x7b: {  	_ =	shalt  }
0x7c: {  	_ =	shalt  }
0x7d: {  	_ =	shalt  }
0x7e: {  	_ =	shalt  }
0x7f: {  	_ =	shalt  }
0x80: {  	_ =	shalt  }
0x81: {  	_ =	shalt  }
0x82: {  	_ =	shalt  }
0x83: {  	_ =	shalt  }
0x84: {  	_ =	shalt  }
0x85: {  	_ =	shalt  }
0x86: {  	_ =	shalt  }
0x87: {  	_ =	shalt  }
.Lfunc_end0:
.L_simem_size_0:
called_computation_lowered:
.L_overlay_start_0:
0x88: {  	s2 =	sld [smem:$0x3FD9]  }
0x89: {  	s3 =	sld [smem:$0x3FFE];
	_ =	sdelay $0x1  }
0x8a: {  	s1 =	srdreg.scid  }
0x8b: {  	s0 =	sand.u32 $0x1, s1  }
0x8c: {  	s17 =	sshll.u32 s0, $0xA;
	s2 =	sadd.s32 s3, s2  }
0x8d: {  	s2 =	sadd.s32 s2, s17  }
0x8e: {  	[smem:$0x3FC0] =	sst s2  }
0x8f: {  	_ = 	snop  }
0x90: {  	(tm) =	ssettm $0x1  }
0x91: {  	s18 =	sld [smem:$0x3FFB];
	_ =	sdelay $0x3  }
0x92: {  	_ =	strace s18  }
0x93: {  	s2 =	sld [smem:$0x3FFC];
	_ =	sdelay $0x3  }
0x94: {  	_ =	strace s2  }
0x95: {  	s2 =	sld [smem:$0x3FFD];
	_ =	sdelay $0x3  }
0x96: {  	_ =	strace s2  }
0x97: {  	_ =	strace $0x8FFFFFFF  }
0x98: {  	s19 =	sld [smem:$0x3FDB];
	_ =	sdelay $0x1  }
0x99: {  	s20 =	simm.s32 $_scs_section_size  }
0x9a: {  	s4 =	simm.s32 $_size__tile_overlayer_lowered;
	s5 =	simm.s32 $_tile_overlayer_lowered  }
0x9b: {  	s6 =	simm.s32 $0x1BFF;
	s21 =	sshll.u32 s5, $0x1;
	s3 =	sadd.s32 s20, s19  }
0x9c: {  	s22 =	simm.s32 $0x0;
	s4 =	sshll.u32 s4, $0x1;
	s5 =	sadd.s32 s21, s3  }
0x9d: {  	[timem:s22], [sflag:s6] =	dma.local [hbm:s5], s4  }
0x9e: {  	_ =	swait.ge [sflag:s6], s4  }
0x9f: {  	s4 =	ssub.s32 $0x0, s4;
	[sflag:s6] =	ssyncset.done $0x0  }
0xa0: {  	[sflag:s6] =	ssyncadd.s32 s4;
	_ =	sdelay $0x1  }
0xa1: {  	s23 =	simm.s32 $0x1B8B  }
0xa2: {  	_ =	swait.ge [sflag:s23], $0x1  }
0xa3: {  	[sflag:s23] =	ssyncset.done $0x0  }
0xa4: {  	[sflag:s23] =	ssyncadd.s32 $0xFFFFFFFF  }
0xa5: {  	s4 =	sld [smem:$0x0]  }
0xa6: {  	s5 =	sand.u32 $0xFFFFFFFE, s1  }
0xa7: {  	p0 =	sne.s32 s1, s5  }
0xa8: {  	s5 =	sshll.u32 @p0 s5, $0xE  }
0xa9: {  	s5 =	sadd.s32 @p0 $0x11B8D, s5;
	s6 =	sshll.u32 @p0 s4, $0x11  }
0xaa: {  	s5 =	sor.u32 @p0 s6, s5  }
0xab: {  	[sflag:s5] =	ssyncadd.remote.s32 @p0 $0x1;
	_ =	sdelay $0x1  }
0xac: {  	s5 =	simm.s32 @p0 $0x1B8D  }
0xad: {  	_ =	swait.eq @p0 [sflag:s5], $0x1  }
0xae: {  	[sflag:s5] =	ssyncadd.s32 @p0 $0xFFFFFFFF  }
0xaf: {  	s6 =	sshll.u32 @!p0 s1, $0xE  }
0xb0: {  	s6 =	sor.u32 @!p0 $0x4000, s6;
	s5 =	simm.s32 @!p0 $0x1B8D  }
0xb1: {  	s4 =	sshll.u32 @!p0 s4, $0x11;
	s6 =	sadd.s32 @!p0 $0x11B8D, s6;
	_ =	swait.eq @!p0 [sflag:s5], $0x1  }
0xb2: {  	s4 =	sor.u32 @!p0 s4, s6;
	[sflag:s5] =	ssyncadd.s32 @!p0 $0xFFFFFFFF  }
0xb3: {  	s25 =	simm.s32 $0x1B8E;
	s24 =	sld [smem:$0x3FFE];
	[sflag:s4] =	ssyncadd.remote.s32 @!p0 $0x1  }
0xb4: {  	s26 =	simm.s32 $execute0_lowered;
	[smem:$0x3FD2] =	sst s25  }
0xb5: {  	s5 =	sshll.u32 s26, $0x1;
	_ =	strace $0x80000049;
	[dreg:$0x1] =	wrdreg $0xFFFFFFFF  }
0xb6: {  	s28 =	simm.s32 $_size_execute0_lowered;
	s3 =	sadd.s32 s3, s5;
	[dreg:$0x0] =	wrdreg $0x0  }
0xb7: {  	s5 =	sshll.u32 s28, $0x1;
	[dreg:$0x2] =	wrdreg s3  }
0xb8: {  	[dreg:$0x3] =	wrdreg s5  }
0xb9: {  	[dreg:$0x4] =	wrdreg $0xC0  }
0xba: {  	_ =	task [dreg:s22], $0x5FFFF  }
0xbb: {  	[dreg:$0x1] =	wrdreg $0xFFFFFFFF  }
0xbc: {  	[dreg:$0x0] =	wrdreg $0x60  }
0xbd: {  	[dreg:$0x2] =	wrdreg s24  }
0xbe: {  	[dreg:$0x3] =	wrdreg $0x30000  }
0xbf: {  	[dreg:$0x4] =	wrdreg $0x9  }
0xc0: {  	_ =	task.clear_ibuf [dreg:s22], $0x5FFFF;
	_ =	strace $0x90000049  }
0xc1: {  	s29 =	simm.s32 $0x9;
	_ =	strace $0x8000004B  }
0xc2: {  	_ =	swait.ge [sflag:s29], $0x1  }
0xc3: {  	[sflag:s29] =	ssyncadd.s32 $0xFFFFFFFF  }
0xc4: {  	_ =	strace $0x9000004B  }
0xc5: {  	_ =	sfence  }
0xc6: {  	s30 =	sld [smem:$0x0];
	_ =	sdelay $0x2  }
0xc7: {  	s31 =	sshll.u32 s1, $0xD;
	s1 =	sshrl.u32 s1, $0x2  }
0xc8: {  	s4 =	sand.u32 $0x4000, s31;
	s1 =	sadd.s32 s1, s30  }
0xc9: {  	s0 =	sor.u32 s4, s0;
	s1 =	sshll.u32 s1, $0x11  }
0xca: {  	s0 =	sor.u32 s1, s0  }
0xcb: {  	s0 =	sadd.s32 $0x8F2B, s0  }
0xcc: {  	[sflag:s0] =	ssyncadd.remote.s32 $0x1  }
0xcd: {  	_ =	sfence.sel $0xFFFF  }
0xce: {  	[dreg:$0x0] =	wrdreg $0xFFFFFFFF;
	(pc) =	sbr.abs _section_cstart, $3  }
0xcf: {  	[dreg:$0x1] =	wrdreg $0xFFFFFFFF  }
0xd0: {  	_ =	task.clear_ibuf [dreg:s22], $0x2FFFF;
	_ =	strace $0x9FFFFFFF  }
0xd1: {  	(tm) =	ssettm $0x7FFFFFFF  }
tec
execute0_lowered:
.L_overlay_start_1:
0x0: {  	(tag) =	ssettag $0x1  }
0x1: {  	s0 =	srdreg.scid;
	s6 =	rddreg [dreg:$0x0]  }
0x2: {  	s2 =	rddreg [dreg:$0x1];
	s3 =	simm.s32 $0x0;
	s13 =	simm.s32 $0x80  }
0x3: {  	s14 =	simm.s32 $0x1;
	s4 =	sand.u32 $0x1, s0;
	s0 =	stileid.u32  }
0x4: {  	s15 =	simm.s32 $0x0;
	[smem:$0x7FF] =	sst s3;
	s7 =	smul.u32 $0x2780, s0  }
0x5: {  	s1 =	sshll.u32 s4, $0x4;
	s8 =	smul.u32 $0x27800, s4;
	s30 =	ssub.s32 $0x2, s4  }
0x6: {  	s4 =	sadd.s32 $0x66200, s6;
	s31 =	sshll.u32 s0, $0x6;
	s1 =	sor.u32 s0, s1  }
0x7: {  	s11 =	sshrl.u32 s30, $0x1;
	s5 =	smul.u32 $0x500, s1;
	s1 =	rddreg [dreg:$0x2]  }
0x8: {  	_ =	strace $0x8000004A;
	s29 =	sadd.s32 s7, s8;
	s8 =	ssub.s32 s30, s11  }
0x9: {  	s12 =	sadd.s32 s7, s2;
	s11 =	sor.u32 $0x1C02, s31;
	s10 =	sshrl.u32 s29, $0x3  }
0xa: {  	s8 =	smax.u32 s8, $0x1;
	s12 =	sshrl.u32 s12, $0x3;
	s9 =	sadd.s32 s5, s6  }
0xb: {  	s5 =	sadd.s32 $0x66800, s6;
	s10 =	sadd.s32 s10, s6;
	s6 =	sadd.s32 $0x1E00, s9  }
0xc: {  	s7 =	sadd.s32 $0x66A00, s10;
	s9 =	simm.s32 $0x2800;
	s10 =	simm.s32 $0x2  }
.LBB2_1:
0xd: {  	[tilespmem:s9], [sflag:$0x2] =	stream.linear.gather [hbm4b:s5+s3], $0x800, $0x38;
	[tilespmem:$0x5780] =	vst v63  }
0xe: {  	_ =	swait.ge [sflag:s10], $0x800  }
0xf: {  	[sflag:s10] =	ssyncset.done $0x0  }
0x10: {  	[sflag:s10] =	ssyncadd.s32 $0xFFFFF800  }
0x11: {  	[tilespmem:s3], [sflag:$0x2] =	stream.linear.gather [hbm4b:s6+s3], $0x2800, $0x38;
	[tilespmem:$0x5780] =	vst v63  }
0x12: {  	_ =	swait.ge [sflag:s10], $0x2800  }
0x13: {  	[sflag:s10] =	ssyncset.done $0x0  }
0x14: {  	[sflag:s10] =	ssyncadd.s32 $0xFFFFD800  }
0x15: {  	[spmem:s12], [sflag:s11] =	dma.local [hbm:s4], $0x4F0  }
0x16: {  	_ =	swait.ge [sflag:s10], $0x4F0  }
0x17: {  	[sflag:s10] =	ssyncset.done $0x0  }
0x18: {  	[sflag:s10] =	ssyncadd.s32 $0xFFFFFB10  }
0x19: {  	[bflag:$0x0] =	sbarrier.arrive $0xFFFF  }
0x1a: {  	[spmem:s2] =	stream.indirect.scatter.add.f32 [tilespmem:s9], [sflag:$0x1], $0x10, s3, s13, $0xb8;
	[tilespmem:$0x5780] =	vst v63  }
0x1b: {  	_ = 	snop  }
0x1c: {  	[spmem:s2] =	stream.indirect.scatter.add.f32 [tilespmem:s9], [sflag:$0x1], $0x10, s13, s13, $0xb8;
	[tilespmem:$0x5780] =	vst v63  }
0x1d: {  	_ =	swait.ge [sflag:s14], $0x800  }
0x1e: {  	[sflag:s14] =	ssyncset.done $0x0  }
0x1f: {  	s16 =	simm.s32 $0x600;
	s17 =	simm.s32 $0x100;
	[sflag:s14] =	ssyncadd.s32 $0xFFFFF800  }
.LBB2_2:
0x20: {  	[spmem:s2] =	stream.indirect.scatter.add.f32 [tilespmem:s9], [sflag:$0x1], $0x10, s17, s13, $0xb8;
	[tilespmem:$0x5780] =	vst v63  }
0x21: {  	s17 =	smov.u32 s16;
	p0 =	sne.s32 s16, $0x9E00  }
.Ltmp0:
0x22: {  	s16 =	sadd.s32 $0x200, s16;
	(pc) =	sbr.rel @p0 .LBB2_2-.Ltmp0, $4  }
0x23: {  	_ = 	snop  }
0x24: {  	_ =	swait.ge [sflag:s14], $0x800  }
0x25: {  	[sflag:s14] =	ssyncset.done $0x0  }
0x26: {  	s17 =	sshra.s32 s17, $0x2;
	[sflag:s14] =	ssyncadd.s32 $0xFFFFF800  }
0x27: {  	[spmem:s2] =	stream.indirect.scatter.add.f32 [tilespmem:s9], [sflag:$0x1], $0x10, s17, s13, $0xb8;
	[tilespmem:$0x5780] =	vst v63  }
0x28: {  	_ =	swait.ge [sflag:s14], $0x800  }
0x29: {  	[sflag:s14] =	ssyncset.done $0x0  }
0x2a: {  	[sflag:s14] =	ssyncadd.s32 $0xFFFFF800  }
0x2b: {  	_ =	swait.ge [sflag:s14], $0x800  }
0x2c: {  	s15 =	sadd.s32 $0x1, s15;
	[sflag:s14] =	ssyncset.done $0x0  }
0x2d: {  	p0 =	sne.s32 s15, s8;
	[sflag:s14] =	ssyncadd.s32 $0xFFFFF800  }
.Ltmp1:
0x2e: {  	[bflag:$0x0] =	sbarrier.arrive $0xFFFF;
	(pc) =	sbr.rel @p0 .LBB2_1-.Ltmp1, $4  }
0x2f: {  	[hbm:s7], [sflag:s11] =	dma.local [spmem:s12], $0x4F0  }
0x30: {  	_ =	swait.ge [sflag:s10], $0x4F0  }
0x31: {  	[sflag:s10] =	ssyncset.done $0x0  }
0x32: {  	[sflag:s10] =	ssyncadd.s32 $0xFFFFFB10  }
0x33: {  	_ =	sfence.sel $0x180000  }
0x34: {  	[bflag:$0x0] =	sbarrier.arrive $0xFFFF  }
0x35: {  	p0 =	sne.s32 s0, $0x0;
	_ =	strace $0x9000004A  }
0x36: {  	s0 =	sadd.s32 @!p0 $0x100000, s1;
	[bflag:$0x2] =	sbarrier.arrive $0xFFFF  }
0x37: {  	[sflag:s0] =	ssyncadd.tile.s32 @!p0 $0x1;
	_ =	shalt  }
.Lfunc_end2:
_tile_overlayer_lowered:
.L_overlay_start_2:
0x38: {  	(tag) =	ssettag $0x2  }
0x39: {  	s0 =	rddreg [dreg:$0x0];
	s2 =	stileid.u32  }
0x3a: {  	s1 =	rddreg [dreg:$0x1];
	p0 =	sne.s32 s2, $0x0  }
0x3b: {  	s3 =	rddreg [dreg:$0x2];
	[bflag:$0x3] =	sbarrier.arrive $0xFFFF;
	s2 =	simm.s32 @!p0 $0x1C02  }
0x3c: {  	[timem:s3], [sflag:s2] =	dma.local @!p0 [hbm:s0], s1  }
0x3d: {  	s0 =	simm.s32 @!p0 $0x2  }
0x3e: {  	_ =	swait.ge @!p0 [sflag:s0], s1  }
0x3f: {  	s1 =	ssub.s32 @!p0 $0x0, s1;
	[sflag:s0] =	ssyncset.done @!p0 $0x0  }
0x40: {  	[sflag:s0] =	ssyncadd.s32 @!p0 s1  }
0x41: {  	[bflag:$0x3] =	sbarrier.arrive $0xFFFF  }
0x42: {  	_ =	shalt  }

</sc_bundles>
